<compile_context>
chip_gen: v7x
topology: tpu7x:2x2x1
jax: 0.10.2.dev20260603
libtpu: 0.0.44.dev20260713+nightly
codegen_flags: <defaults>
</compile_context>

<pallas_src>
import functools

import jax
import jax.numpy as jnp
from jax import lax
from jax.experimental import pallas as pl
from jax.experimental.pallas import tpu as pltpu
from jax.experimental.pallas import tpu_sc as plsc

B, C, X = 4, 2048, 1024
BC = B * C
H, DH = 16, 64
KC = 204

MB = 256
GPB = MB * H // 128

_NEG = -3.4e38


def _fused_kernel(x_ref, w_ref, b_ref, sa_ref, v_ref):
    qkv = jnp.dot(x_ref[...], w_ref[...],
                  preferred_element_type=jnp.float32) + b_ref[...]
    v_ref[...] = qkv[:, 2 * X:]
    qk = qkv[:, :2 * X].reshape(MB, H, 128).reshape(MB * H, 128)

    lane = lax.broadcasted_iota(jnp.int32, (128, 128), 1)
    br = lax.broadcasted_iota(jnp.int32, (128, 128), 0) // 16
    mask = br == (lane // 16)
    colj = lane % 16
    j16 = lax.broadcasted_iota(jnp.int32, (128, 16), 1)
    for g in range(GPB):
        rows = qk[g * 128:(g + 1) * 128]
        qg = jnp.where(lane < 64, rows, 0.0)
        kg = pltpu.roll(jnp.where(lane >= 64, rows, 0.0), 64, 1)
        a = lax.dot_general(qg, kg, (((1,), (1,)), ((), ())),
                            preferred_element_type=jnp.float32)
        am = jnp.where(mask, a, _NEG)
        m = jnp.max(am, axis=1, keepdims=True)
        jl = jnp.min(jnp.where(am == m, colj, 1 << 30), axis=1, keepdims=True)
        sa_ref[pl.ds(g * 128, 128), :] = (j16 == jl).astype(jnp.float32)


def _fused(x2, Wp, bp):
    return pl.pallas_call(
        _fused_kernel,
        grid=(BC // MB,),
        in_specs=[
            pl.BlockSpec((MB, X), lambda i: (i, 0)),
            pl.BlockSpec((X, 3 * X), lambda i: (0, 0)),
            pl.BlockSpec((1, 3 * X), lambda i: (0, 0)),
        ],
        out_specs=[
            pl.BlockSpec((MB * H, H), lambda i: (i, 0)),
            pl.BlockSpec((MB, X), lambda i: (i, 0)),
        ],
        out_shape=[
            jax.ShapeDtypeStruct((BC * H, H), jnp.float32),
            jax.ShapeDtypeStruct((BC, X), jnp.float32),
        ],
    )(x2, Wp, bp)


def _topk_kernel(ci_ref, chi_ref):
    vals0 = ci_ref[...]
    lane = lax.broadcasted_iota(jnp.int32, (8, C), 1)
    lane256 = lax.broadcasted_iota(jnp.int32, (8, 256), 1)

    def body(r, carry):
        vals, acc = carry
        m = jnp.max(vals, axis=1, keepdims=True)
        idx = jnp.min(jnp.where(vals == m, lane, 1 << 30),
                      axis=1, keepdims=True)
        acc = jnp.where(lane256 == r, idx, acc)
        vals = jnp.where(lane == idx, _NEG, vals)
        return vals, acc

    _, acc = lax.fori_loop(0, KC, body,
                           (vals0, jnp.zeros((8, 256), jnp.int32)))
    chi_ref[...] = acc


def _topk(ci_pad):
    return pl.pallas_call(
        _topk_kernel,
        grid=(1,),
        in_specs=[pl.BlockSpec((8, C), lambda i: (0, 0))],
        out_specs=pl.BlockSpec((8, 256), lambda i: (0, 0)),
        out_shape=jax.ShapeDtypeStruct((8, 256), jnp.int32),
    )(ci_pad)


_NC, _NS = 2, 16
_NW = _NC * _NS
GN = 1024
BPW = GN // _NW


def _make_gather():
    mesh = plsc.VectorSubcoreMesh(core_axis_name="c", subcore_axis_name="s")

    @functools.partial(
        pl.kernel, mesh=mesh,
        out_type=jax.ShapeDtypeStruct((GN, 1024), jnp.float32),
        scratch_types=[
            pltpu.VMEM((BPW,), jnp.int32),
            pltpu.VMEM((BPW, 1024), jnp.float32),
            pltpu.SemaphoreType.DMA,
        ],
    )
    def k(table_hbm, idx_hbm, out_hbm, idx_v, rows_v, sem):
        wid = lax.axis_index("s") * _NC + lax.axis_index("c")
        base = wid * BPW
        pltpu.sync_copy(idx_hbm.at[pl.ds(base, BPW)], idx_v)
        pltpu.async_copy(table_hbm.at[idx_v], rows_v, sem).wait()
        pltpu.sync_copy(rows_v, out_hbm.at[pl.ds(base, BPW)])

    return k


def kernel(x, W, b):
    Wqkp = W[:, :2 * X].reshape(X, 2, H, DH).transpose(0, 2, 1, 3).reshape(X, 2 * X)
    Wp = jnp.concatenate([Wqkp, W[:, 2 * X:]], axis=1)
    bqkp = b[:2 * X].reshape(2, H, DH).transpose(1, 0, 2).reshape(2 * X)
    bp = jnp.concatenate([bqkp, b[2 * X:]]).reshape(1, 3 * X)
    sa, v = _fused(x.reshape(BC, X), Wp, bp)
    sa3 = sa.reshape(BC, H, H)
    v3 = v.reshape(BC, H, DH)

    out = jnp.matmul(sa3, v3)
    out_t = jnp.transpose(out, (0, 2, 1)).reshape(B, C, X)
    ci = jnp.linalg.norm(out_t, axis=-1)

    ci_pad = jnp.concatenate(
        [ci, jnp.full((4, C), -1.0, jnp.float32)], axis=0)
    chi = _topk(ci_pad)[:B, :KC]

    tix = (chi + (jnp.arange(B, dtype=jnp.int32) * C)[:, None]).reshape(B * KC)
    tix = jnp.concatenate(
        [tix, jnp.zeros((GN - B * KC,), jnp.int32)], axis=0)
    gathered = _make_gather()(out_t.reshape(BC, X), tix)
    sparse_feat = gathered[:B * KC].reshape(B, KC, X)
    return sparse_feat, chi, KC

# --- scband reference (transcript-rebuilt; emitter-appended) ---
"""Pipeline reference for scband-channel-wise-attention-39633958208117 (READ-ONLY COPY).

The authoritative reference and input builder live on the scoring server;
editing this copy changes nothing except your own understanding.
"""

import jax, jax.numpy as jnp
import numpy as np

D_MODEL = 1024
NUM_HEADS = 16
SPARSITY = 0.1
HEAD_DIM = D_MODEL // NUM_HEADS


def setup_inputs(seed: int = 0) -> dict:
    key = jax.random.key(seed)
    k1, k2, k3 = jax.random.split(key, 3)
    x = jax.random.normal(k1, (4, 2048, D_MODEL), dtype=jnp.float32)
    W = jax.random.normal(k2, (D_MODEL, 3 * D_MODEL), dtype=jnp.float32) * (1.0 / np.sqrt(D_MODEL))
    b = jax.random.normal(k3, (3 * D_MODEL,), dtype=jnp.float32) * 0.01
    return {"x": x, "W": W, "b": b}


def _forward(x, W, b):
    B, C, X = x.shape
    H, dh = NUM_HEADS, HEAD_DIM
    scale = dh ** (-0.5)
    # to_qkv linear on flattened tokens
    qkv = (x.reshape(B * C, X) @ W + b).reshape(B * C, 3, H, dh)
    qkv = jnp.transpose(qkv, (1, 0, 2, 3))  # [3, B*C, H, dh]
    q, k, v = qkv[0], qkv[1], qkv[2]
    # head-vs-head attention scores: [B*C, H, H]
    attn_scores = jnp.matmul(q, jnp.swapaxes(k, -2, -1)) * scale
    k_heads = max(1, int(H * SPARSITY))
    topk_scores, topk_idx = jax.lax.top_k(attn_scores, k_heads)
    sm = jax.nn.softmax(topk_scores, axis=-1)
    # scatter softmaxed top-k scores back into a zeros tensor (indices along a
    # top-k axis are unique, so scatter-add == scatter-set)
    onehot = jax.nn.one_hot(topk_idx, H, dtype=attn_scores.dtype)  # [B*C,H,k,H]
    sparse_attn = jnp.sum(sm[..., None] * onehot, axis=-2)  # [B*C,H,H]
    out = jnp.matmul(sparse_attn, v)  # [B*C, H, dh]
    out = jnp.transpose(out, (0, 2, 1)).reshape(B, C, D_MODEL)
    channel_importance = jnp.linalg.norm(out, axis=-1)  # [B, C]
    k_channels = max(1, int(C * SPARSITY))
    _, ch_idx = jax.lax.top_k(channel_importance, k_channels)  # [B, k_channels]
    sparse_feat = jnp.take_along_axis(out, ch_idx[:, :, None], axis=1)
    return sparse_feat, ch_idx, k_channels


def reference(x, W, b):
    return _forward(x, W, b)

if __name__ == "__main__":
    import jax
    _d = setup_inputs()
    print(jax.jit(kernel)(*tuple(_d.values())))

</pallas_src>

<mosaic_0001>
#map = affine_map<(d0, d1) -> (0, 0)>
#map1 = affine_map<(d0, d1) -> (0)>
module attributes {stable_mosaic.version = 14 : i64} {
  func.func @k(%arg0: i32, %arg1: i32, %arg2: memref<8192x1024xf32, #tpu.memory_space<hbm>>, %arg3: memref<1024xi32, #tpu.memory_space<hbm>>, %arg4: memref<1024x1024xf32, #tpu.memory_space<hbm>>, %arg5: memref<32xi32, #tpu.memory_space<vmem>>, %arg6: memref<32x1024xf32, #tpu.memory_space<vmem>>, %arg7: memref<!tpu.dma_semaphore, #tpu.memory_space<semaphore_mem>>) attributes {dimension_semantics = [#tpu.dimension_semantics<core_parallel>, #tpu.dimension_semantics<subcore_parallel>], iteration_bounds = array<i64: 2, 16>, scalar_prefetch = 0 : i64, scratch_operands = 3 : i64, tpu.core_type = #tpu.core_type<sc_vector_subcore>, window_params = [{transform_indices = #map}, {transform_indices = #map1}, {transform_indices = #map}]} {
    %mul3A = arith.constant 2 : i32
    %mul3A_0 = arith.muli %arg1, %mul3A : i32
    %add3A = arith.addi %mul3A_0, %arg0 : i32
    %mul3A_1 = arith.constant 32 : i32
    %mul3A_2 = arith.muli %add3A, %mul3A_1 : i32
    "tpu.region"() ({
      %run_scoped3A = tpu.sem_alloc : memref<!tpu.dma_semaphore, #tpu.memory_space<semaphore_mem>>
      %dma_start3A_7 = tpu.memref_slice %arg3[%mul3A_2] : memref<1024xi32, #tpu.memory_space<hbm>> -> memref<32xi32, #tpu.memory_space<hbm>>
      %dma_start3A_8 = tpu.memref_slice %arg3[%mul3A_2] : memref<1024xi32, #tpu.memory_space<hbm>> -> memref<32xi32, #tpu.memory_space<hbm>>
      tpu.enqueue_dma source(%dma_start3A_8 : memref<32xi32, #tpu.memory_space<hbm>>) target(%arg5 : memref<32xi32, #tpu.memory_space<vmem>>) target_semaphore(%run_scoped3A : memref<!tpu.dma_semaphore, #tpu.memory_space<semaphore_mem>>)
      %dma_wait3A_9 = tpu.memref_slice %arg3[%mul3A_2] : memref<1024xi32, #tpu.memory_space<hbm>> -> memref<32xi32, #tpu.memory_space<hbm>>
      %dma_wait3A_10 = tpu.memref_slice %arg3[%mul3A_2] : memref<1024xi32, #tpu.memory_space<hbm>> -> memref<32xi32, #tpu.memory_space<hbm>>
      tpu.wait_dma2 semaphore(%run_scoped3A : memref<!tpu.dma_semaphore, #tpu.memory_space<semaphore_mem>>) src(%dma_wait3A_10 : memref<32xi32, #tpu.memory_space<hbm>>) dst(%arg5 : memref<32xi32, #tpu.memory_space<vmem>>)
      tpu.yield
    }) : () -> ()
    %dma_start3A = arith.constant 0 : i32
    %dma_start3A_3 = arith.constant 0 : i32
    %dma_start3A_4 = tpu.memref_slice %arg2[%dma_start3A, %dma_start3A_3] : memref<8192x1024xf32, #tpu.memory_space<hbm>> -> memref<8192x1024xf32, #tpu.memory_space<hbm>>
    tpu.enqueue_indirect_dma source(%dma_start3A_4 : memref<8192x1024xf32, #tpu.memory_space<hbm>>) target(%arg6 : memref<32x1024xf32, #tpu.memory_space<vmem>>) offsets(%arg5 : memref<32xi32, #tpu.memory_space<vmem>>) semaphore(%arg7 : memref<!tpu.dma_semaphore, #tpu.memory_space<semaphore_mem>>)
    %dma_wait3A = arith.constant 0 : i32
    %dma_wait3A_5 = arith.constant 0 : i32
    %dma_wait3A_6 = tpu.memref_slice %arg2[%dma_wait3A, %dma_wait3A_5] : memref<8192x1024xf32, #tpu.memory_space<hbm>> -> memref<8192x1024xf32, #tpu.memory_space<hbm>>
    tpu.wait_indirect_dma semaphore(%arg7 : memref<!tpu.dma_semaphore, #tpu.memory_space<semaphore_mem>>) src(%dma_wait3A_6 : memref<8192x1024xf32, #tpu.memory_space<hbm>>) dst(%arg6 : memref<32x1024xf32, #tpu.memory_space<vmem>>)
    "tpu.region"() ({
      %run_scoped3A = tpu.sem_alloc : memref<!tpu.dma_semaphore, #tpu.memory_space<semaphore_mem>>
      %dma_start3A_7 = arith.constant 0 : i32
      %dma_start3A_8 = tpu.memref_slice %arg4[%mul3A_2, %dma_start3A_7] : memref<1024x1024xf32, #tpu.memory_space<hbm>> -> memref<32x1024xf32, #tpu.memory_space<hbm>>
      %dma_start3A_9 = arith.constant 0 : i32
      %dma_start3A_10 = tpu.memref_slice %arg4[%mul3A_2, %dma_start3A_9] : memref<1024x1024xf32, #tpu.memory_space<hbm>> -> memref<32x1024xf32, #tpu.memory_space<hbm>>
      tpu.enqueue_dma source(%arg6 : memref<32x1024xf32, #tpu.memory_space<vmem>>) target(%dma_start3A_10 : memref<32x1024xf32, #tpu.memory_space<hbm>>) target_semaphore(%run_scoped3A : memref<!tpu.dma_semaphore, #tpu.memory_space<semaphore_mem>>)
      %dma_wait3A_11 = arith.constant 0 : i32
      %dma_wait3A_12 = tpu.memref_slice %arg4[%mul3A_2, %dma_wait3A_11] : memref<1024x1024xf32, #tpu.memory_space<hbm>> -> memref<32x1024xf32, #tpu.memory_space<hbm>>
      %dma_wait3A_13 = arith.constant 0 : i32
      %dma_wait3A_14 = tpu.memref_slice %arg4[%mul3A_2, %dma_wait3A_13] : memref<1024x1024xf32, #tpu.memory_space<hbm>> -> memref<32x1024xf32, #tpu.memory_space<hbm>>
      tpu.wait_dma2 semaphore(%run_scoped3A : memref<!tpu.dma_semaphore, #tpu.memory_space<semaphore_mem>>) src(%arg6 : memref<32x1024xf32, #tpu.memory_space<vmem>>) dst(%dma_wait3A_14 : memref<32x1024xf32, #tpu.memory_space<hbm>>)
      tpu.yield
    }) : () -> ()
    return
  }
}

module attributes {stable_mosaic.version = 14 : i64} {
  func.func @_fused_kernel(%arg0: i32, %arg1: memref<256x1024xf32, #tpu.memory_space<vmem>>, %arg2: memref<1024x3072xf32, #tpu.memory_space<vmem>>, %arg3: memref<1x3072xf32, #tpu.memory_space<vmem>>, %arg4: memref<4096x16xf32, #tpu.memory_space<vmem>>, %arg5: memref<256x1024xf32, #tpu.memory_space<vmem>>) attributes {dimension_semantics = [#tpu.dimension_semantics<arbitrary>], iteration_bounds = array<i64: 32>, scalar_prefetch = 0 : i64, scratch_operands = 0 : i64, tpu.core_type = #tpu.core_type<tc>, window_params = [{transform_indices = @transform_0, window_bounds = array<i64: 256, 1024>}, {pipeline_mode = #tpu.pipeline_mode<synchronous>, transform_indices = @transform_1, window_bounds = array<i64: 1024, 3072>}, {pipeline_mode = #tpu.pipeline_mode<synchronous>, transform_indices = @transform_2, window_bounds = array<i64: 1, 3072>}, {transform_indices = @transform_3, window_bounds = array<i64: 4096, 16>}, {transform_indices = @transform_4, window_bounds = array<i64: 256, 1024>}]} {
    %get3A = arith.constant 0 : index
    %get3A_0 = arith.constant 0 : index
    %get3A_1 = vector.load %arg1[%get3A, %get3A_0] : memref<256x1024xf32, #tpu.memory_space<vmem>>, vector<256x1024xf32>
    %get3A_2 = arith.constant 0 : index
    %get3A_3 = arith.constant 0 : index
    %get3A_4 = vector.load %arg2[%get3A_2, %get3A_3] : memref<1024x3072xf32, #tpu.memory_space<vmem>>, vector<1024x3072xf32>
    %dot_general3A = arith.constant dense<0.000000e+00> : vector<256x3072xf32>
    %dot_general3A_5 = tpu.matmul %get3A_1, %get3A_4, %dot_general3A {dimension_numbers = #tpu.dot_dimension_numbers<[1], [0], [0], [1], [0, 0, 1, 1], [], []>, transpose_lhs_hint = false} : vector<256x1024xf32>, vector<1024x3072xf32>, vector<256x3072xf32> -> vector<256x3072xf32>
    %get3A_6 = arith.constant 0 : index
    %get3A_7 = arith.constant 0 : index
    %get3A_8 = vector.load %arg3[%get3A_6, %get3A_7] : memref<1x3072xf32, #tpu.memory_space<vmem>>, vector<1x3072xf32>
    %add3A = vector.broadcast %get3A_8 : vector<1x3072xf32> to vector<256x3072xf32>
    %add3A_9 = arith.addf %dot_general3A_5, %add3A : vector<256x3072xf32>
    %slice3A = vector.extract_strided_slice %add3A_9 {offsets = [0, 2048], sizes = [256, 1024], strides = [1, 1]} : vector<256x3072xf32> to vector<256x1024xf32>
    %swap3A = arith.constant 0 : index
    %swap3A_10 = arith.constant 0 : index
    %swap3A_11 = vector.load %arg5[%swap3A, %swap3A_10] : memref<256x1024xf32, #tpu.memory_space<vmem>>, vector<256x1024xf32>
    tpu.vector_store %arg5[%swap3A, %swap3A_10], %slice3A {strides = array<i32>} : memref<256x1024xf32, #tpu.memory_space<vmem>>, vector<256x1024xf32>,
    %slice3A_12 = vector.extract_strided_slice %add3A_9 {offsets = [0, 0], sizes = [256, 2048], strides = [1, 1]} : vector<256x3072xf32> to vector<256x2048xf32>
    %reshape3A = vector.shape_cast %slice3A_12 : vector<256x2048xf32> to vector<256x16x128xf32>
    %reshape3A_13 = vector.shape_cast %reshape3A : vector<256x16x128xf32> to vector<4096x128xf32>
    %iota3A = tpu.iota {dimensions = array<i32: 1>} : vector<128x128xi32>
    %iota3A_14 = tpu.iota {dimensions = array<i32: 0>} : vector<128x128xi32>
    %jit3A = arith.constant 16 : i32
    %div3A = vector.broadcast %jit3A : i32 to vector<128x128xi32>
    %div3A_15 = arith.divsi %iota3A_14, %div3A : vector<128x128xi32>
    %sign3A = arith.constant 0 : i32
    %sign3A_16 = vector.broadcast %sign3A : i32 to vector<128x128xi32>
    %sign3A_17 = arith.cmpi sgt, %iota3A_14, %sign3A_16 : vector<128x128xi32>
    %sign3A_18 = arith.extui %sign3A_17 : vector<128x128xi1> to vector<128x128xi32>
    %sign3A_19 = arith.constant 0 : i32
    %sign3A_20 = vector.broadcast %sign3A_19 : i32 to vector<128x128xi32>
    %sign3A_21 = arith.cmpi slt, %iota3A_14, %sign3A_20 : vector<128x128xi32>
    %sign3A_22 = arith.extui %sign3A_21 : vector<128x128xi1> to vector<128x128xi32>
    %sign3A_23 = arith.subi %sign3A_18, %sign3A_22 : vector<128x128xi32>
    %sign3A_24 = arith.constant 0 : i32
    %sign3A_25 = arith.cmpi sgt, %jit3A, %sign3A_24 : i32
    %sign3A_26 = arith.extui %sign3A_25 : i1 to i32
    %sign3A_27 = arith.constant 0 : i32
    %sign3A_28 = arith.cmpi slt, %jit3A, %sign3A_27 : i32
    %sign3A_29 = arith.extui %sign3A_28 : i1 to i32
    %sign3A_30 = arith.subi %sign3A_26, %sign3A_29 : i32
    %ne3A = vector.broadcast %sign3A_30 : i32 to vector<128x128xi32>
    %ne3A_31 = arith.cmpi ne, %sign3A_23, %ne3A : vector<128x128xi32>
    %rem3A = vector.broadcast %jit3A : i32 to vector<128x128xi32>
    %rem3A_32 = arith.remsi %iota3A_14, %rem3A : vector<128x128xi32>
    %ne3A_33 = arith.constant 0 : i32
    %ne3A_34 = vector.broadcast %ne3A_33 : i32 to vector<128x128xi32>
    %ne3A_35 = arith.cmpi ne, %rem3A_32, %ne3A_34 : vector<128x128xi32>
    %and3A = arith.andi %ne3A_31, %ne3A_35 : vector<128x128xi1>
    %sub3A = arith.constant 1 : i32
    %sub3A_36 = vector.broadcast %sub3A : i32 to vector<128x128xi32>
    %sub3A_37 = arith.subi %div3A_15, %sub3A_36 : vector<128x128xi32>
    %select_n3A = arith.select %and3A, %sub3A_37, %div3A_15 : vector<128x128xi1>, vector<128x128xi32>
    %jit3A_38 = arith.constant 16 : i32
    %div3A_39 = vector.broadcast %jit3A_38 : i32 to vector<128x128xi32>
    %div3A_40 = arith.divsi %iota3A, %div3A_39 : vector<128x128xi32>
    %sign3A_41 = arith.constant 0 : i32
    %sign3A_42 = vector.broadcast %sign3A_41 : i32 to vector<128x128xi32>
    %sign3A_43 = arith.cmpi sgt, %iota3A, %sign3A_42 : vector<128x128xi32>
    %sign3A_44 = arith.extui %sign3A_43 : vector<128x128xi1> to vector<128x128xi32>
    %sign3A_45 = arith.constant 0 : i32
    %sign3A_46 = vector.broadcast %sign3A_45 : i32 to vector<128x128xi32>
    %sign3A_47 = arith.cmpi slt, %iota3A, %sign3A_46 : vector<128x128xi32>
    %sign3A_48 = arith.extui %sign3A_47 : vector<128x128xi1> to vector<128x128xi32>
    %sign3A_49 = arith.subi %sign3A_44, %sign3A_48 : vector<128x128xi32>
    %sign3A_50 = arith.constant 0 : i32
    %sign3A_51 = arith.cmpi sgt, %jit3A_38, %sign3A_50 : i32
    %sign3A_52 = arith.extui %sign3A_51 : i1 to i32
    %sign3A_53 = arith.constant 0 : i32
    %sign3A_54 = arith.cmpi slt, %jit3A_38, %sign3A_53 : i32
    %sign3A_55 = arith.extui %sign3A_54 : i1 to i32
    %sign3A_56 = arith.subi %sign3A_52, %sign3A_55 : i32
    %ne3A_57 = vector.broadcast %sign3A_56 : i32 to vector<128x128xi32>
    %ne3A_58 = arith.cmpi ne, %sign3A_49, %ne3A_57 : vector<128x128xi32>
    %rem3A_59 = vector.broadcast %jit3A_38 : i32 to vector<128x128xi32>
    %rem3A_60 = arith.remsi %iota3A, %rem3A_59 : vector<128x128xi32>
    %ne3A_61 = arith.constant 0 : i32
    %ne3A_62 = vector.broadcast %ne3A_61 : i32 to vector<128x128xi32>
    %ne3A_63 = arith.cmpi ne, %rem3A_60, %ne3A_62 : vector<128x128xi32>
    %and3A_64 = arith.andi %ne3A_58, %ne3A_63 : vector<128x128xi1>
    %sub3A_65 = arith.constant 1 : i32
    %sub3A_66 = vector.broadcast %sub3A_65 : i32 to vector<128x128xi32>
    %sub3A_67 = arith.subi %div3A_40, %sub3A_66 : vector<128x128xi32>
    %select_n3A_68 = arith.select %and3A_64, %sub3A_67, %div3A_40 : vector<128x128xi1>, vector<128x128xi32>
    %eq3A = arith.cmpi eq, %select_n3A, %select_n3A_68 : vector<128x128xi32>
    %jit3A_69 = arith.constant 16 : i32
    %eq3A_70 = arith.constant 0 : i32
    %eq3A_71 = arith.cmpi eq, %jit3A_69, %eq3A_70 : i32
    %jit3A_72 = arith.constant 1 : i32
    %select_n3A_73 = arith.select %eq3A_71, %jit3A_72, %jit3A_69 : i32
    %rem3A_74 = vector.broadcast %select_n3A_73 : i32 to vector<128x128xi32>
    %rem3A_75 = arith.remsi %iota3A, %rem3A_74 : vector<128x128xi32>
    %ne3A_76 = arith.constant 0 : i32
    %ne3A_77 = vector.broadcast %ne3A_76 : i32 to vector<128x128xi32>
    %ne3A_78 = arith.cmpi ne, %rem3A_75, %ne3A_77 : vector<128x128xi32>
    %lt3A = arith.constant 0 : i32
    %lt3A_79 = vector.broadcast %lt3A : i32 to vector<128x128xi32>
    %lt3A_80 = arith.cmpi slt, %rem3A_75, %lt3A_79 : vector<128x128xi32>
    %lt3A_81 = arith.constant 0 : i32
    %lt3A_82 = arith.cmpi slt, %select_n3A_73, %lt3A_81 : i32
    %ne3A_83 = vector.broadcast %lt3A_82 : i1 to vector<128x128xi1>
    %ne3A_84 = vector.broadcast %ne3A_83 : vector<128x128xi1> to vector<128x128xi1>
    %ne3A_85 = arith.xori %lt3A_80, %ne3A_84 : vector<128x128xi1>
    %and3A_86 = arith.andi %ne3A_85, %ne3A_78 : vector<128x128xi1>
    %add3A_87 = vector.broadcast %select_n3A_73 : i32 to vector<128x128xi32>
    %add3A_88 = arith.addi %rem3A_75, %add3A_87 : vector<128x128xi32>
    %select_n3A_89 = arith.select %and3A_86, %add3A_88, %rem3A_75 : vector<128x128xi1>, vector<128x128xi32>
    %iota3A_90 = tpu.iota {dimensions = array<i32: 1>} : vector<128x16xi32>
    %slice3A_91 = vector.extract_strided_slice %reshape3A_13 {offsets = [0, 0], sizes = [128, 128], strides = [1, 1]} : vector<4096x128xf32> to vector<128x128xf32>
    %lt3A_92 = arith.constant 64 : i32
    %lt3A_93 = vector.broadcast %lt3A_92 : i32 to vector<128x128xi32>
    %lt3A_94 = arith.cmpi slt, %iota3A, %lt3A_93 : vector<128x128xi32>
    %jit3A_95 = arith.constant 0.000000e+00 : f32
    %broadcast_in_dim3A = vector.broadcast %jit3A_95 : f32 to vector<128x128xf32>
    %select_n3A_96 = arith.select %lt3A_94, %slice3A_91, %broadcast_in_dim3A : vector<128x128xi1>, vector<128x128xf32>
    %ge3A = arith.constant 64 : i32
    %ge3A_97 = vector.broadcast %ge3A : i32 to vector<128x128xi32>
    %ge3A_98 = arith.cmpi sge, %iota3A, %ge3A_97 : vector<128x128xi32>
    %jit3A_99 = arith.constant 0.000000e+00 : f32
    %broadcast_in_dim3A_100 = vector.broadcast %jit3A_99 : f32 to vector<128x128xf32>
    %select_n3A_101 = arith.select %ge3A_98, %slice3A_91, %broadcast_in_dim3A_100 : vector<128x128xi1>, vector<128x128xf32>
    %roll3A = arith.constant 64 : i32
    %roll3A_102 = tpu.dynamic_rotate %select_n3A_101 by %roll3A dim 1 : vector<128x128xf32>, i32 -> vector<128x128xf32>
    %dot_general3A_103 = arith.constant dense<0.000000e+00> : vector<128x128xf32>
    %dot_general3A_104 = tpu.matmul %select_n3A_96, %roll3A_102, %dot_general3A_103 {dimension_numbers = #tpu.dot_dimension_numbers<[1], [1], [0], [0], [0, 0, 1, 0], [], []>, transpose_lhs_hint = false} : vector<128x128xf32>, vector<128x128xf32>, vector<128x128xf32> -> vector<128x128xf32>
    %jit3A_105 = arith.constant -3.400000e+38 : f32
    %broadcast_in_dim3A_106 = vector.broadcast %jit3A_105 : f32 to vector<128x128xf32>
    %select_n3A_107 = arith.select %eq3A, %dot_general3A_104, %broadcast_in_dim3A_106 : vector<128x128xi1>, vector<128x128xf32>
    %reduce_max3A = arith.constant dense<0xFF800000> : vector<128xf32>
    %reduce_max3A_108 = vector.multi_reduction <maximumf>, %select_n3A_107, %reduce_max3A [1] : vector<128x128xf32> to vector<128xf32>
    %broadcast_in_dim3A_109 = vector.shape_cast %reduce_max3A_108 : vector<128xf32> to vector<128x1xf32>
    %eq3A_110 = vector.broadcast %broadcast_in_dim3A_109 : vector<128x1xf32> to vector<128x128xf32>
    %eq3A_111 = arith.cmpf oeq, %select_n3A_107, %eq3A_110 : vector<128x128xf32>
    %jit3A_112 = arith.constant 1073741824 : i32
    %broadcast_in_dim3A_113 = vector.broadcast %jit3A_112 : i32 to vector<128x128xi32>
    %select_n3A_114 = arith.select %eq3A_111, %select_n3A_89, %broadcast_in_dim3A_113 : vector<128x128xi1>, vector<128x128xi32>
    %reduce_min3A = arith.constant dense<2147483647> : vector<128xi32>
    %reduce_min3A_115 = vector.multi_reduction <minsi>, %select_n3A_114, %reduce_min3A [1] : vector<128x128xi32> to vector<128xi32>
    %broadcast_in_dim3A_116 = vector.shape_cast %reduce_min3A_115 : vector<128xi32> to vector<128x1xi32>
    %eq3A_117 = vector.broadcast %broadcast_in_dim3A_116 : vector<128x1xi32> to vector<128x16xi32>
    %eq3A_118 = arith.cmpi eq, %iota3A_90, %eq3A_117 : vector<128x16xi32>
    %convert_element_type3A = arith.extui %eq3A_118 : vector<128x16xi1> to vector<128x16xi32>
    %convert_element_type3A_119 = arith.sitofp %convert_element_type3A : vector<128x16xi32> to vector<128x16xf32>
    %swap3A_120 = arith.constant 0 : index
    %swap3A_121 = arith.constant 0 : index
    %swap3A_122 = vector.load %arg4[%swap3A_120, %swap3A_121] : memref<4096x16xf32, #tpu.memory_space<vmem>>, vector<128x16xf32>
    tpu.vector_store %arg4[%swap3A_120, %swap3A_121], %convert_element_type3A_119 {strides = array<i32>} : memref<4096x16xf32, #tpu.memory_space<vmem>>, vector<128x16xf32>,
    %slice3A_123 = vector.extract_strided_slice %reshape3A_13 {offsets = [128, 0], sizes = [128, 128], strides = [1, 1]} : vector<4096x128xf32> to vector<128x128xf32>
    %lt3A_124 = arith.constant 64 : i32
    %lt3A_125 = vector.broadcast %lt3A_124 : i32 to vector<128x128xi32>
    %lt3A_126 = arith.cmpi slt, %iota3A, %lt3A_125 : vector<128x128xi32>
    %jit3A_127 = arith.constant 0.000000e+00 : f32
    %broadcast_in_dim3A_128 = vector.broadcast %jit3A_127 : f32 to vector<128x128xf32>
    %select_n3A_129 = arith.select %lt3A_126, %slice3A_123, %broadcast_in_dim3A_128 : vector<128x128xi1>, vector<128x128xf32>
    %ge3A_130 = arith.constant 64 : i32
    %ge3A_131 = vector.broadcast %ge3A_130 : i32 to vector<128x128xi32>
    %ge3A_132 = arith.cmpi sge, %iota3A, %ge3A_131 : vector<128x128xi32>
    %jit3A_133 = arith.constant 0.000000e+00 : f32
    %broadcast_in_dim3A_134 = vector.broadcast %jit3A_133 : f32 to vector<128x128xf32>
    %select_n3A_135 = arith.select %ge3A_132, %slice3A_123, %broadcast_in_dim3A_134 : vector<128x128xi1>, vector<128x128xf32>
    %roll3A_136 = arith.constant 64 : i32
    %roll3A_137 = tpu.dynamic_rotate %select_n3A_135 by %roll3A_136 dim 1 : vector<128x128xf32>, i32 -> vector<128x128xf32>
    %dot_general3A_138 = arith.constant dense<0.000000e+00> : vector<128x128xf32>
    %dot_general3A_139 = tpu.matmul %select_n3A_129, %roll3A_137, %dot_general3A_138 {dimension_numbers = #tpu.dot_dimension_numbers<[1], [1], [0], [0], [0, 0, 1, 0], [], []>, transpose_lhs_hint = false} : vector<128x128xf32>, vector<128x128xf32>, vector<128x128xf32> -> vector<128x128xf32>
    %jit3A_140 = arith.constant -3.400000e+38 : f32
    %broadcast_in_dim3A_141 = vector.broadcast %jit3A_140 : f32 to vector<128x128xf32>
    %select_n3A_142 = arith.select %eq3A, %dot_general3A_139, %broadcast_in_dim3A_141 : vector<128x128xi1>, vector<128x128xf32>
    %reduce_max3A_143 = arith.constant dense<0xFF800000> : vector<128xf32>
    %reduce_max3A_144 = vector.multi_reduction <maximumf>, %select_n3A_142, %reduce_max3A_143 [1] : vector<128x128xf32> to vector<128xf32>
    %broadcast_in_dim3A_145 = vector.shape_cast %reduce_max3A_144 : vector<128xf32> to vector<128x1xf32>
    %eq3A_146 = vector.broadcast %broadcast_in_dim3A_145 : vector<128x1xf32> to vector<128x128xf32>
    %eq3A_147 = arith.cmpf oeq, %select_n3A_142, %eq3A_146 : vector<128x128xf32>
    %jit3A_148 = arith.constant 1073741824 : i32
    %broadcast_in_dim3A_149 = vector.broadcast %jit3A_148 : i32 to vector<128x128xi32>
    %select_n3A_150 = arith.select %eq3A_147, %select_n3A_89, %broadcast_in_dim3A_149 : vector<128x128xi1>, vector<128x128xi32>
    %reduce_min3A_151 = arith.constant dense<2147483647> : vector<128xi32>
    %reduce_min3A_152 = vector.multi_reduction <minsi>, %select_n3A_150, %reduce_min3A_151 [1] : vector<128x128xi32> to vector<128xi32>
    %broadcast_in_dim3A_153 = vector.shape_cast %reduce_min3A_152 : vector<128xi32> to vector<128x1xi32>
    %eq3A_154 = vector.broadcast %broadcast_in_dim3A_153 : vector<128x1xi32> to vector<128x16xi32>
    %eq3A_155 = arith.cmpi eq, %iota3A_90, %eq3A_154 : vector<128x16xi32>
    %convert_element_type3A_156 = arith.extui %eq3A_155 : vector<128x16xi1> to vector<128x16xi32>
    %convert_element_type3A_157 = arith.sitofp %convert_element_type3A_156 : vector<128x16xi32> to vector<128x16xf32>
    %swap3A_158 = arith.constant 128 : index
    %swap3A_159 = arith.constant 0 : index
    %swap3A_160 = vector.load %arg4[%swap3A_158, %swap3A_159] : memref<4096x16xf32, #tpu.memory_space<vmem>>, vector<128x16xf32>
    tpu.vector_store %arg4[%swap3A_158, %swap3A_159], %convert_element_type3A_157 {strides = array<i32>} : memref<4096x16xf32, #tpu.memory_space<vmem>>, vector<128x16xf32>,
    %slice3A_161 = vector.extract_strided_slice %reshape3A_13 {offsets = [256, 0], sizes = [128, 128], strides = [1, 1]} : vector<4096x128xf32> to vector<128x128xf32>
    %lt3A_162 = arith.constant 64 : i32
    %lt3A_163 = vector.broadcast %lt3A_162 : i32 to vector<128x128xi32>
    %lt3A_164 = arith.cmpi slt, %iota3A, %lt3A_163 : vector<128x128xi32>
    %jit3A_165 = arith.constant 0.000000e+00 : f32
    %broadcast_in_dim3A_166 = vector.broadcast %jit3A_165 : f32 to vector<128x128xf32>
    %select_n3A_167 = arith.select %lt3A_164, %slice3A_161, %broadcast_in_dim3A_166 : vector<128x128xi1>, vector<128x128xf32>
    %ge3A_168 = arith.constant 64 : i32
    %ge3A_169 = vector.broadcast %ge3A_168 : i32 to vector<128x128xi32>
    %ge3A_170 = arith.cmpi sge, %iota3A, %ge3A_169 : vector<128x128xi32>
    %jit3A_171 = arith.constant 0.000000e+00 : f32
    %broadcast_in_dim3A_172 = vector.broadcast %jit3A_171 : f32 to vector<128x128xf32>
    %select_n3A_173 = arith.select %ge3A_170, %slice3A_161, %broadcast_in_dim3A_172 : vector<128x128xi1>, vector<128x128xf32>
    %roll3A_174 = arith.constant 64 : i32
    %roll3A_175 = tpu.dynamic_rotate %select_n3A_173 by %roll3A_174 dim 1 : vector<128x128xf32>, i32 -> vector<128x128xf32>
    %dot_general3A_176 = arith.constant dense<0.000000e+00> : vector<128x128xf32>
    %dot_general3A_177 = tpu.matmul %select_n3A_167, %roll3A_175, %dot_general3A_176 {dimension_numbers = #tpu.dot_dimension_numbers<[1], [1], [0], [0], [0, 0, 1, 0], [], []>, transpose_lhs_hint = false} : vector<128x128xf32>, vector<128x128xf32>, vector<128x128xf32> -> vector<128x128xf32>
    %jit3A_178 = arith.constant -3.400000e+38 : f32
    %broadcast_in_dim3A_179 = vector.broadcast %jit3A_178 : f32 to vector<128x128xf32>
    %select_n3A_180 = arith.select %eq3A, %dot_general3A_177, %broadcast_in_dim3A_179 : vector<128x128xi1>, vector<128x128xf32>
    %reduce_max3A_181 = arith.constant dense<0xFF800000> : vector<128xf32>
    %reduce_max3A_182 = vector.multi_reduction <maximumf>, %select_n3A_180, %reduce_max3A_181 [1] : vector<128x128xf32> to vector<128xf32>
    %broadcast_in_dim3A_183 = vector.shape_cast %reduce_max3A_182 : vector<128xf32> to vector<128x1xf32>
    %eq3A_184 = vector.broadcast %broadcast_in_dim3A_183 : vector<128x1xf32> to vector<128x128xf32>
    %eq3A_185 = arith.cmpf oeq, %select_n3A_180, %eq3A_184 : vector<128x128xf32>
    %jit3A_186 = arith.constant 1073741824 : i32
    %broadcast_in_dim3A_187 = vector.broadcast %jit3A_186 : i32 to vector<128x128xi32>
    %select_n3A_188 = arith.select %eq3A_185, %select_n3A_89, %broadcast_in_dim3A_187 : vector<128x128xi1>, vector<128x128xi32>
    %reduce_min3A_189 = arith.constant dense<2147483647> : vector<128xi32>
    %reduce_min3A_190 = vector.multi_reduction <minsi>, %select_n3A_188, %reduce_min3A_189 [1] : vector<128x128xi32> to vector<128xi32>
    %broadcast_in_dim3A_191 = vector.shape_cast %reduce_min3A_190 : vector<128xi32> to vector<128x1xi32>
    %eq3A_192 = vector.broadcast %broadcast_in_dim3A_191 : vector<128x1xi32> to vector<128x16xi32>
    %eq3A_193 = arith.cmpi eq, %iota3A_90, %eq3A_192 : vector<128x16xi32>
    %convert_element_type3A_194 = arith.extui %eq3A_193 : vector<128x16xi1> to vector<128x16xi32>
    %convert_element_type3A_195 = arith.sitofp %convert_element_type3A_194 : vector<128x16xi32> to vector<128x16xf32>
    %swap3A_196 = arith.constant 256 : index
    %swap3A_197 = arith.constant 0 : index
    %swap3A_198 = vector.load %arg4[%swap3A_196, %swap3A_197] : memref<4096x16xf32, #tpu.memory_space<vmem>>, vector<128x16xf32>
    tpu.vector_store %arg4[%swap3A_196, %swap3A_197], %convert_element_type3A_195 {strides = array<i32>} : memref<4096x16xf32, #tpu.memory_space<vmem>>, vector<128x16xf32>,
    %slice3A_199 = vector.extract_strided_slice %reshape3A_13 {offsets = [384, 0], sizes = [128, 128], strides = [1, 1]} : vector<4096x128xf32> to vector<128x128xf32>
    %lt3A_200 = arith.constant 64 : i32
    %lt3A_201 = vector.broadcast %lt3A_200 : i32 to vector<128x128xi32>
    %lt3A_202 = arith.cmpi slt, %iota3A, %lt3A_201 : vector<128x128xi32>
    %jit3A_203 = arith.constant 0.000000e+00 : f32
    %broadcast_in_dim3A_204 = vector.broadcast %jit3A_203 : f32 to vector<128x128xf32>
    %select_n3A_205 = arith.select %lt3A_202, %slice3A_199, %broadcast_in_dim3A_204 : vector<128x128xi1>, vector<128x128xf32>
    %ge3A_206 = arith.constant 64 : i32
    %ge3A_207 = vector.broadcast %ge3A_206 : i32 to vector<128x128xi32>
    %ge3A_208 = arith.cmpi sge, %iota3A, %ge3A_207 : vector<128x128xi32>
    %jit3A_209 = arith.constant 0.000000e+00 : f32
    %broadcast_in_dim3A_210 = vector.broadcast %jit3A_209 : f32 to vector<128x128xf32>
    %select_n3A_211 = arith.select %ge3A_208, %slice3A_199, %broadcast_in_dim3A_210 : vector<128x128xi1>, vector<128x128xf32>
    %roll3A_212 = arith.constant 64 : i32
    %roll3A_213 = tpu.dynamic_rotate %select_n3A_211 by %roll3A_212 dim 1 : vector<128x128xf32>, i32 -> vector<128x128xf32>
    %dot_general3A_214 = arith.constant dense<0.000000e+00> : vector<128x128xf32>
    %dot_general3A_215 = tpu.matmul %select_n3A_205, %roll3A_213, %dot_general3A_214 {dimension_numbers = #tpu.dot_dimension_numbers<[1], [1], [0], [0], [0, 0, 1, 0], [], []>, transpose_lhs_hint = false} : vector<128x128xf32>, vector<128x128xf32>, vector<128x128xf32> -> vector<128x128xf32>
    %jit3A_216 = arith.constant -3.400000e+38 : f32
    %broadcast_in_dim3A_217 = vector.broadcast %jit3A_216 : f32 to vector<128x128xf32>
    %select_n3A_218 = arith.select %eq3A, %dot_general3A_215, %broadcast_in_dim3A_217 : vector<128x128xi1>, vector<128x128xf32>
    %reduce_max3A_219 = arith.constant dense<0xFF800000> : vector<128xf32>
    %reduce_max3A_220 = vector.multi_reduction <maximumf>, %select_n3A_218, %reduce_max3A_219 [1] : vector<128x128xf32> to vector<128xf32>
    %broadcast_in_dim3A_221 = vector.shape_cast %reduce_max3A_220 : vector<128xf32> to vector<128x1xf32>
    %eq3A_222 = vector.broadcast %broadcast_in_dim3A_221 : vector<128x1xf32> to vector<128x128xf32>
    %eq3A_223 = arith.cmpf oeq, %select_n3A_218, %eq3A_222 : vector<128x128xf32>
    %jit3A_224 = arith.constant 1073741824 : i32
    %broadcast_in_dim3A_225 = vector.broadcast %jit3A_224 : i32 to vector<128x128xi32>
    %select_n3A_226 = arith.select %eq3A_223, %select_n3A_89, %broadcast_in_dim3A_225 : vector<128x128xi1>, vector<128x128xi32>
    %reduce_min3A_227 = arith.constant dense<2147483647> : vector<128xi32>
    %reduce_min3A_228 = vector.multi_reduction <minsi>, %select_n3A_226, %reduce_min3A_227 [1] : vector<128x128xi32> to vector<128xi32>
    %broadcast_in_dim3A_229 = vector.shape_cast %reduce_min3A_228 : vector<128xi32> to vector<128x1xi32>
    %eq3A_230 = vector.broadcast %broadcast_in_dim3A_229 : vector<128x1xi32> to vector<128x16xi32>
    %eq3A_231 = arith.cmpi eq, %iota3A_90, %eq3A_230 : vector<128x16xi32>
    %convert_element_type3A_232 = arith.extui %eq3A_231 : vector<128x16xi1> to vector<128x16xi32>
    %convert_element_type3A_233 = arith.sitofp %convert_element_type3A_232 : vector<128x16xi32> to vector<128x16xf32>
    %swap3A_234 = arith.constant 384 : index
    %swap3A_235 = arith.constant 0 : index
    %swap3A_236 = vector.load %arg4[%swap3A_234, %swap3A_235] : memref<4096x16xf32, #tpu.memory_space<vmem>>, vector<128x16xf32>
    tpu.vector_store %arg4[%swap3A_234, %swap3A_235], %convert_element_type3A_233 {strides = array<i32>} : memref<4096x16xf32, #tpu.memory_space<vmem>>, vector<128x16xf32>,
    %slice3A_237 = vector.extract_strided_slice %reshape3A_13 {offsets = [512, 0], sizes = [128, 128], strides = [1, 1]} : vector<4096x128xf32> to vector<128x128xf32>
    %lt3A_238 = arith.constant 64 : i32
    %lt3A_239 = vector.broadcast %lt3A_238 : i32 to vector<128x128xi32>
    %lt3A_240 = arith.cmpi slt, %iota3A, %lt3A_239 : vector<128x128xi32>
    %jit3A_241 = arith.constant 0.000000e+00 : f32
    %broadcast_in_dim3A_242 = vector.broadcast %jit3A_241 : f32 to vector<128x128xf32>
    %select_n3A_243 = arith.select %lt3A_240, %slice3A_237, %broadcast_in_dim3A_242 : vector<128x128xi1>, vector<128x128xf32>
    %ge3A_244 = arith.constant 64 : i32
    %ge3A_245 = vector.broadcast %ge3A_244 : i32 to vector<128x128xi32>
    %ge3A_246 = arith.cmpi sge, %iota3A, %ge3A_245 : vector<128x128xi32>
    %jit3A_247 = arith.constant 0.000000e+00 : f32
    %broadcast_in_dim3A_248 = vector.broadcast %jit3A_247 : f32 to vector<128x128xf32>
    %select_n3A_249 = arith.select %ge3A_246, %slice3A_237, %broadcast_in_dim3A_248 : vector<128x128xi1>, vector<128x128xf32>
    %roll3A_250 = arith.constant 64 : i32
    %roll3A_251 = tpu.dynamic_rotate %select_n3A_249 by %roll3A_250 dim 1 : vector<128x128xf32>, i32 -> vector<128x128xf32>
    %dot_general3A_252 = arith.constant dense<0.000000e+00> : vector<128x128xf32>
    %dot_general3A_253 = tpu.matmul %select_n3A_243, %roll3A_251, %dot_general3A_252 {dimension_numbers = #tpu.dot_dimension_numbers<[1], [1], [0], [0], [0, 0, 1, 0], [], []>, transpose_lhs_hint = false} : vector<128x128xf32>, vector<128x128xf32>, vector<128x128xf32> -> vector<128x128xf32>
    %jit3A_254 = arith.constant -3.400000e+38 : f32
    %broadcast_in_dim3A_255 = vector.broadcast %jit3A_254 : f32 to vector<128x128xf32>
    %select_n3A_256 = arith.select %eq3A, %dot_general3A_253, %broadcast_in_dim3A_255 : vector<128x128xi1>, vector<128x128xf32>
    %reduce_max3A_257 = arith.constant dense<0xFF800000> : vector<128xf32>
    %reduce_max3A_258 = vector.multi_reduction <maximumf>, %select_n3A_256, %reduce_max3A_257 [1] : vector<128x128xf32> to vector<128xf32>
    %broadcast_in_dim3A_259 = vector.shape_cast %reduce_max3A_258 : vector<128xf32> to vector<128x1xf32>
    %eq3A_260 = vector.broadcast %broadcast_in_dim3A_259 : vector<128x1xf32> to vector<128x128xf32>
    %eq3A_261 = arith.cmpf oeq, %select_n3A_256, %eq3A_260 : vector<128x128xf32>
    %jit3A_262 = arith.constant 1073741824 : i32
    %broadcast_in_dim3A_263 = vector.broadcast %jit3A_262 : i32 to vector<128x128xi32>
    %select_n3A_264 = arith.select %eq3A_261, %select_n3A_89, %broadcast_in_dim3A_263 : vector<128x128xi1>, vector<128x128xi32>
    %reduce_min3A_265 = arith.constant dense<2147483647> : vector<128xi32>
    %reduce_min3A_266 = vector.multi_reduction <minsi>, %select_n3A_264, %reduce_min3A_265 [1] : vector<128x128xi32> to vector<128xi32>
    %broadcast_in_dim3A_267 = vector.shape_cast %reduce_min3A_266 : vector<128xi32> to vector<128x1xi32>
    %eq3A_268 = vector.broadcast %broadcast_in_dim3A_267 : vector<128x1xi32> to vector<128x16xi32>
    %eq3A_269 = arith.cmpi eq, %iota3A_90, %eq3A_268 : vector<128x16xi32>
    %convert_element_type3A_270 = arith.extui %eq3A_269 : vector<128x16xi1> to vector<128x16xi32>
    %convert_element_type3A_271 = arith.sitofp %convert_element_type3A_270 : vector<128x16xi32> to vector<128x16xf32>
    %swap3A_272 = arith.constant 512 : index
    %swap3A_273 = arith.constant 0 : index
    %swap3A_274 = vector.load %arg4[%swap3A_272, %swap3A_273] : memref<4096x16xf32, #tpu.memory_space<vmem>>, vector<128x16xf32>
    tpu.vector_store %arg4[%swap3A_272, %swap3A_273], %convert_element_type3A_271 {strides = array<i32>} : memref<4096x16xf32, #tpu.memory_space<vmem>>, vector<128x16xf32>,
    %slice3A_275 = vector.extract_strided_slice %reshape3A_13 {offsets = [640, 0], sizes = [128, 128], strides = [1, 1]} : vector<4096x128xf32> to vector<128x128xf32>
    %lt3A_276 = arith.constant 64 : i32
    %lt3A_277 = vector.broadcast %lt3A_276 : i32 to vector<128x128xi32>
    %lt3A_278 = arith.cmpi slt, %iota3A, %lt3A_277 : vector<128x128xi32>
    %jit3A_279 = arith.constant 0.000000e+00 : f32
    %broadcast_in_dim3A_280 = vector.broadcast %jit3A_279 : f32 to vector<128x128xf32>
    %select_n3A_281 = arith.select %lt3A_278, %slice3A_275, %broadcast_in_dim3A_280 : vector<128x128xi1>, vector<128x128xf32>
    %ge3A_282 = arith.constant 64 : i32
    %ge3A_283 = vector.broadcast %ge3A_282 : i32 to vector<128x128xi32>
    %ge3A_284 = arith.cmpi sge, %iota3A, %ge3A_283 : vector<128x128xi32>
    %jit3A_285 = arith.constant 0.000000e+00 : f32
    %broadcast_in_dim3A_286 = vector.broadcast %jit3A_285 : f32 to vector<128x128xf32>
    %select_n3A_287 = arith.select %ge3A_284, %slice3A_275, %broadcast_in_dim3A_286 : vector<128x128xi1>, vector<128x128xf32>
    %roll3A_288 = arith.constant 64 : i32
    %roll3A_289 = tpu.dynamic_rotate %select_n3A_287 by %roll3A_288 dim 1 : vector<128x128xf32>, i32 -> vector<128x128xf32>
    %dot_general3A_290 = arith.constant dense<0.000000e+00> : vector<128x128xf32>
    %dot_general3A_291 = tpu.matmul %select_n3A_281, %roll3A_289, %dot_general3A_290 {dimension_numbers = #tpu.dot_dimension_numbers<[1], [1], [0], [0], [0, 0, 1, 0], [], []>, transpose_lhs_hint = false} : vector<128x128xf32>, vector<128x128xf32>, vector<128x128xf32> -> vector<128x128xf32>
    %jit3A_292 = arith.constant -3.400000e+38 : f32
    %broadcast_in_dim3A_293 = vector.broadcast %jit3A_292 : f32 to vector<128x128xf32>
    %select_n3A_294 = arith.select %eq3A, %dot_general3A_291, %broadcast_in_dim3A_293 : vector<128x128xi1>, vector<128x128xf32>
    %reduce_max3A_295 = arith.constant dense<0xFF800000> : vector<128xf32>
    %reduce_max3A_296 = vector.multi_reduction <maximumf>, %select_n3A_294, %reduce_max3A_295 [1] : vector<128x128xf32> to vector<128xf32>
    %broadcast_in_dim3A_297 = vector.shape_cast %reduce_max3A_296 : vector<128xf32> to vector<128x1xf32>
    %eq3A_298 = vector.broadcast %broadcast_in_dim3A_297 : vector<128x1xf32> to vector<128x128xf32>
    %eq3A_299 = arith.cmpf oeq, %select_n3A_294, %eq3A_298 : vector<128x128xf32>
    %jit3A_300 = arith.constant 1073741824 : i32
    %broadcast_in_dim3A_301 = vector.broadcast %jit3A_300 : i32 to vector<128x128xi32>
    %select_n3A_302 = arith.select %eq3A_299, %select_n3A_89, %broadcast_in_dim3A_301 : vector<128x128xi1>, vector<128x128xi32>
    %reduce_min3A_303 = arith.constant dense<2147483647> : vector<128xi32>
    %reduce_min3A_304 = vector.multi_reduction <minsi>, %select_n3A_302, %reduce_min3A_303 [1] : vector<128x128xi32> to vector<128xi32>
    %broadcast_in_dim3A_305 = vector.shape_cast %reduce_min3A_304 : vector<128xi32> to vector<128x1xi32>
    %eq3A_306 = vector.broadcast %broadcast_in_dim3A_305 : vector<128x1xi32> to vector<128x16xi32>
    %eq3A_307 = arith.cmpi eq, %iota3A_90, %eq3A_306 : vector<128x16xi32>
    %convert_element_type3A_308 = arith.extui %eq3A_307 : vector<128x16xi1> to vector<128x16xi32>
    %convert_element_type3A_309 = arith.sitofp %convert_element_type3A_308 : vector<128x16xi32> to vector<128x16xf32>
    %swap3A_310 = arith.constant 640 : index
    %swap3A_311 = arith.constant 0 : index
    %swap3A_312 = vector.load %arg4[%swap3A_310, %swap3A_311] : memref<4096x16xf32, #tpu.memory_space<vmem>>, vector<128x16xf32>
    tpu.vector_store %arg4[%swap3A_310, %swap3A_311], %convert_element_type3A_309 {strides = array<i32>} : memref<4096x16xf32, #tpu.memory_space<vmem>>, vector<128x16xf32>,
    %slice3A_313 = vector.extract_strided_slice %reshape3A_13 {offsets = [768, 0], sizes = [128, 128], strides = [1, 1]} : vector<4096x128xf32> to vector<128x128xf32>
    %lt3A_314 = arith.constant 64 : i32
    %lt3A_315 = vector.broadcast %lt3A_314 : i32 to vector<128x128xi32>
    %lt3A_316 = arith.cmpi slt, %iota3A, %lt3A_315 : vector<128x128xi32>
    %jit3A_317 = arith.constant 0.000000e+00 : f32
    %broadcast_in_dim3A_318 = vector.broadcast %jit3A_317 : f32 to vector<128x128xf32>
    %select_n3A_319 = arith.select %lt3A_316, %slice3A_313, %broadcast_in_dim3A_318 : vector<128x128xi1>, vector<128x128xf32>
    %ge3A_320 = arith.constant 64 : i32
    %ge3A_321 = vector.broadcast %ge3A_320 : i32 to vector<128x128xi32>
    %ge3A_322 = arith.cmpi sge, %iota3A, %ge3A_321 : vector<128x128xi32>
    %jit3A_323 = arith.constant 0.000000e+00 : f32
    %broadcast_in_dim3A_324 = vector.broadcast %jit3A_323 : f32 to vector<128x128xf32>
    %select_n3A_325 = arith.select %ge3A_322, %slice3A_313, %broadcast_in_dim3A_324 : vector<128x128xi1>, vector<128x128xf32>
    %roll3A_326 = arith.constant 64 : i32
    %roll3A_327 = tpu.dynamic_rotate %select_n3A_325 by %roll3A_326 dim 1 : vector<128x128xf32>, i32 -> vector<128x128xf32>
    %dot_general3A_328 = arith.constant dense<0.000000e+00> : vector<128x128xf32>
    %dot_general3A_329 = tpu.matmul %select_n3A_319, %roll3A_327, %dot_general3A_328 {dimension_numbers = #tpu.dot_dimension_numbers<[1], [1], [0], [0], [0, 0, 1, 0], [], []>, transpose_lhs_hint = false} : vector<128x128xf32>, vector<128x128xf32>, vector<128x128xf32> -> vector<128x128xf32>
    %jit3A_330 = arith.constant -3.400000e+38 : f32
    %broadcast_in_dim3A_331 = vector.broadcast %jit3A_330 : f32 to vector<128x128xf32>
    %select_n3A_332 = arith.select %eq3A, %dot_general3A_329, %broadcast_in_dim3A_331 : vector<128x128xi1>, vector<128x128xf32>
    %reduce_max3A_333 = arith.constant dense<0xFF800000> : vector<128xf32>
    %reduce_max3A_334 = vector.multi_reduction <maximumf>, %select_n3A_332, %reduce_max3A_333 [1] : vector<128x128xf32> to vector<128xf32>
    %broadcast_in_dim3A_335 = vector.shape_cast %reduce_max3A_334 : vector<128xf32> to vector<128x1xf32>
    %eq3A_336 = vector.broadcast %broadcast_in_dim3A_335 : vector<128x1xf32> to vector<128x128xf32>
    %eq3A_337 = arith.cmpf oeq, %select_n3A_332, %eq3A_336 : vector<128x128xf32>
    %jit3A_338 = arith.constant 1073741824 : i32
    %broadcast_in_dim3A_339 = vector.broadcast %jit3A_338 : i32 to vector<128x128xi32>
    %select_n3A_340 = arith.select %eq3A_337, %select_n3A_89, %broadcast_in_dim3A_339 : vector<128x128xi1>, vector<128x128xi32>
    %reduce_min3A_341 = arith.constant dense<2147483647> : vector<128xi32>
    %reduce_min3A_342 = vector.multi_reduction <minsi>, %select_n3A_340, %reduce_min3A_341 [1] : vector<128x128xi32> to vector<128xi32>
    %broadcast_in_dim3A_343 = vector.shape_cast %reduce_min3A_342 : vector<128xi32> to vector<128x1xi32>
    %eq3A_344 = vector.broadcast %broadcast_in_dim3A_343 : vector<128x1xi32> to vector<128x16xi32>
    %eq3A_345 = arith.cmpi eq, %iota3A_90, %eq3A_344 : vector<128x16xi32>
    %convert_element_type3A_346 = arith.extui %eq3A_345 : vector<128x16xi1> to vector<128x16xi32>
    %convert_element_type3A_347 = arith.sitofp %convert_element_type3A_346 : vector<128x16xi32> to vector<128x16xf32>
    %swap3A_348 = arith.constant 768 : index
    %swap3A_349 = arith.constant 0 : index
    %swap3A_350 = vector.load %arg4[%swap3A_348, %swap3A_349] : memref<4096x16xf32, #tpu.memory_space<vmem>>, vector<128x16xf32>
    tpu.vector_store %arg4[%swap3A_348, %swap3A_349], %convert_element_type3A_347 {strides = array<i32>} : memref<4096x16xf32, #tpu.memory_space<vmem>>, vector<128x16xf32>,
    %slice3A_351 = vector.extract_strided_slice %reshape3A_13 {offsets = [896, 0], sizes = [128, 128], strides = [1, 1]} : vector<4096x128xf32> to vector<128x128xf32>
    %lt3A_352 = arith.constant 64 : i32
    %lt3A_353 = vector.broadcast %lt3A_352 : i32 to vector<128x128xi32>
    %lt3A_354 = arith.cmpi slt, %iota3A, %lt3A_353 : vector<128x128xi32>
    %jit3A_355 = arith.constant 0.000000e+00 : f32
    %broadcast_in_dim3A_356 = vector.broadcast %jit3A_355 : f32 to vector<128x128xf32>
    %select_n3A_357 = arith.select %lt3A_354, %slice3A_351, %broadcast_in_dim3A_356 : vector<128x128xi1>, vector<128x128xf32>
    %ge3A_358 = arith.constant 64 : i32
    %ge3A_359 = vector.broadcast %ge3A_358 : i32 to vector<128x128xi32>
    %ge3A_360 = arith.cmpi sge, %iota3A, %ge3A_359 : vector<128x128xi32>
    %jit3A_361 = arith.constant 0.000000e+00 : f32
    %broadcast_in_dim3A_362 = vector.broadcast %jit3A_361 : f32 to vector<128x128xf32>
    %select_n3A_363 = arith.select %ge3A_360, %slice3A_351, %broadcast_in_dim3A_362 : vector<128x128xi1>, vector<128x128xf32>
    %roll3A_364 = arith.constant 64 : i32
    %roll3A_365 = tpu.dynamic_rotate %select_n3A_363 by %roll3A_364 dim 1 : vector<128x128xf32>, i32 -> vector<128x128xf32>
    %dot_general3A_366 = arith.constant dense<0.000000e+00> : vector<128x128xf32>
    %dot_general3A_367 = tpu.matmul %select_n3A_357, %roll3A_365, %dot_general3A_366 {dimension_numbers = #tpu.dot_dimension_numbers<[1], [1], [0], [0], [0, 0, 1, 0], [], []>, transpose_lhs_hint = false} : vector<128x128xf32>, vector<128x128xf32>, vector<128x128xf32> -> vector<128x128xf32>
    %jit3A_368 = arith.constant -3.400000e+38 : f32
    %broadcast_in_dim3A_369 = vector.broadcast %jit3A_368 : f32 to vector<128x128xf32>
    %select_n3A_370 = arith.select %eq3A, %dot_general3A_367, %broadcast_in_dim3A_369 : vector<128x128xi1>, vector<128x128xf32>
    %reduce_max3A_371 = arith.constant dense<0xFF800000> : vector<128xf32>
    %reduce_max3A_372 = vector.multi_reduction <maximumf>, %select_n3A_370, %reduce_max3A_371 [1] : vector<128x128xf32> to vector<128xf32>
    %broadcast_in_dim3A_373 = vector.shape_cast %reduce_max3A_372 : vector<128xf32> to vector<128x1xf32>
    %eq3A_374 = vector.broadcast %broadcast_in_dim3A_373 : vector<128x1xf32> to vector<128x128xf32>
    %eq3A_375 = arith.cmpf oeq, %select_n3A_370, %eq3A_374 : vector<128x128xf32>
    %jit3A_376 = arith.constant 1073741824 : i32
    %broadcast_in_dim3A_377 = vector.broadcast %jit3A_376 : i32 to vector<128x128xi32>
    %select_n3A_378 = arith.select %eq3A_375, %select_n3A_89, %broadcast_in_dim3A_377 : vector<128x128xi1>, vector<128x128xi32>
    %reduce_min3A_379 = arith.constant dense<2147483647> : vector<128xi32>
    %reduce_min3A_380 = vector.multi_reduction <minsi>, %select_n3A_378, %reduce_min3A_379 [1] : vector<128x128xi32> to vector<128xi32>
    %broadcast_in_dim3A_381 = vector.shape_cast %reduce_min3A_380 : vector<128xi32> to vector<128x1xi32>
    %eq3A_382 = vector.broadcast %broadcast_in_dim3A_381 : vector<128x1xi32> to vector<128x16xi32>
    %eq3A_383 = arith.cmpi eq, %iota3A_90, %eq3A_382 : vector<128x16xi32>
    %convert_element_type3A_384 = arith.extui %eq3A_383 : vector<128x16xi1> to vector<128x16xi32>
    %convert_element_type3A_385 = arith.sitofp %convert_element_type3A_384 : vector<128x16xi32> to vector<128x16xf32>
    %swap3A_386 = arith.constant 896 : index
    %swap3A_387 = arith.constant 0 : index
    %swap3A_388 = vector.load %arg4[%swap3A_386, %swap3A_387] : memref<4096x16xf32, #tpu.memory_space<vmem>>, vector<128x16xf32>
    tpu.vector_store %arg4[%swap3A_386, %swap3A_387], %convert_element_type3A_385 {strides = array<i32>} : memref<4096x16xf32, #tpu.memory_space<vmem>>, vector<128x16xf32>,
    %slice3A_389 = vector.extract_strided_slice %reshape3A_13 {offsets = [1024, 0], sizes = [128, 128], strides = [1, 1]} : vector<4096x128xf32> to vector<128x128xf32>
    %lt3A_390 = arith.constant 64 : i32
    %lt3A_391 = vector.broadcast %lt3A_390 : i32 to vector<128x128xi32>
    %lt3A_392 = arith.cmpi slt, %iota3A, %lt3A_391 : vector<128x128xi32>
    %jit3A_393 = arith.constant 0.000000e+00 : f32
    %broadcast_in_dim3A_394 = vector.broadcast %jit3A_393 : f32 to vector<128x128xf32>
    %select_n3A_395 = arith.select %lt3A_392, %slice3A_389, %broadcast_in_dim3A_394 : vector<128x128xi1>, vector<128x128xf32>
    %ge3A_396 = arith.constant 64 : i32
    %ge3A_397 = vector.broadcast %ge3A_396 : i32 to vector<128x128xi32>
    %ge3A_398 = arith.cmpi sge, %iota3A, %ge3A_397 : vector<128x128xi32>
    %jit3A_399 = arith.constant 0.000000e+00 : f32
    %broadcast_in_dim3A_400 = vector.broadcast %jit3A_399 : f32 to vector<128x128xf32>
    %select_n3A_401 = arith.select %ge3A_398, %slice3A_389, %broadcast_in_dim3A_400 : vector<128x128xi1>, vector<128x128xf32>
    %roll3A_402 = arith.constant 64 : i32
    %roll3A_403 = tpu.dynamic_rotate %select_n3A_401 by %roll3A_402 dim 1 : vector<128x128xf32>, i32 -> vector<128x128xf32>
    %dot_general3A_404 = arith.constant dense<0.000000e+00> : vector<128x128xf32>
    %dot_general3A_405 = tpu.matmul %select_n3A_395, %roll3A_403, %dot_general3A_404 {dimension_numbers = #tpu.dot_dimension_numbers<[1], [1], [0], [0], [0, 0, 1, 0], [], []>, transpose_lhs_hint = false} : vector<128x128xf32>, vector<128x128xf32>, vector<128x128xf32> -> vector<128x128xf32>
    %jit3A_406 = arith.constant -3.400000e+38 : f32
    %broadcast_in_dim3A_407 = vector.broadcast %jit3A_406 : f32 to vector<128x128xf32>
    %select_n3A_408 = arith.select %eq3A, %dot_general3A_405, %broadcast_in_dim3A_407 : vector<128x128xi1>, vector<128x128xf32>
    %reduce_max3A_409 = arith.constant dense<0xFF800000> : vector<128xf32>
    %reduce_max3A_410 = vector.multi_reduction <maximumf>, %select_n3A_408, %reduce_max3A_409 [1] : vector<128x128xf32> to vector<128xf32>
    %broadcast_in_dim3A_411 = vector.shape_cast %reduce_max3A_410 : vector<128xf32> to vector<128x1xf32>
    %eq3A_412 = vector.broadcast %broadcast_in_dim3A_411 : vector<128x1xf32> to vector<128x128xf32>
    %eq3A_413 = arith.cmpf oeq, %select_n3A_408, %eq3A_412 : vector<128x128xf32>
    %jit3A_414 = arith.constant 1073741824 : i32
    %broadcast_in_dim3A_415 = vector.broadcast %jit3A_414 : i32 to vector<128x128xi32>
    %select_n3A_416 = arith.select %eq3A_413, %select_n3A_89, %broadcast_in_dim3A_415 : vector<128x128xi1>, vector<128x128xi32>
    %reduce_min3A_417 = arith.constant dense<2147483647> : vector<128xi32>
    %reduce_min3A_418 = vector.multi_reduction <minsi>, %select_n3A_416, %reduce_min3A_417 [1] : vector<128x128xi32> to vector<128xi32>
    %broadcast_in_dim3A_419 = vector.shape_cast %reduce_min3A_418 : vector<128xi32> to vector<128x1xi32>
    %eq3A_420 = vector.broadcast %broadcast_in_dim3A_419 : vector<128x1xi32> to vector<128x16xi32>
    %eq3A_421 = arith.cmpi eq, %iota3A_90, %eq3A_420 : vector<128x16xi32>
    %convert_element_type3A_422 = arith.extui %eq3A_421 : vector<128x16xi1> to vector<128x16xi32>
    %convert_element_type3A_423 = arith.sitofp %convert_element_type3A_422 : vector<128x16xi32> to vector<128x16xf32>
    %swap3A_424 = arith.constant 1024 : index
    %swap3A_425 = arith.constant 0 : index
    %swap3A_426 = vector.load %arg4[%swap3A_424, %swap3A_425] : memref<4096x16xf32, #tpu.memory_space<vmem>>, vector<128x16xf32>
    tpu.vector_store %arg4[%swap3A_424, %swap3A_425], %convert_element_type3A_423 {strides = array<i32>} : memref<4096x16xf32, #tpu.memory_space<vmem>>, vector<128x16xf32>,
    %slice3A_427 = vector.extract_strided_slice %reshape3A_13 {offsets = [1152, 0], sizes = [128, 128], strides = [1, 1]} : vector<4096x128xf32> to vector<128x128xf32>
    %lt3A_428 = arith.constant 64 : i32
    %lt3A_429 = vector.broadcast %lt3A_428 : i32 to vector<128x128xi32>
    %lt3A_430 = arith.cmpi slt, %iota3A, %lt3A_429 : vector<128x128xi32>
    %jit3A_431 = arith.constant 0.000000e+00 : f32
    %broadcast_in_dim3A_432 = vector.broadcast %jit3A_431 : f32 to vector<128x128xf32>
    %select_n3A_433 = arith.select %lt3A_430, %slice3A_427, %broadcast_in_dim3A_432 : vector<128x128xi1>, vector<128x128xf32>
    %ge3A_434 = arith.constant 64 : i32
    %ge3A_435 = vector.broadcast %ge3A_434 : i32 to vector<128x128xi32>
    %ge3A_436 = arith.cmpi sge, %iota3A, %ge3A_435 : vector<128x128xi32>
    %jit3A_437 = arith.constant 0.000000e+00 : f32
    %broadcast_in_dim3A_438 = vector.broadcast %jit3A_437 : f32 to vector<128x128xf32>
    %select_n3A_439 = arith.select %ge3A_436, %slice3A_427, %broadcast_in_dim3A_438 : vector<128x128xi1>, vector<128x128xf32>
    %roll3A_440 = arith.constant 64 : i32
    %roll3A_441 = tpu.dynamic_rotate %select_n3A_439 by %roll3A_440 dim 1 : vector<128x128xf32>, i32 -> vector<128x128xf32>
    %dot_general3A_442 = arith.constant dense<0.000000e+00> : vector<128x128xf32>
    %dot_general3A_443 = tpu.matmul %select_n3A_433, %roll3A_441, %dot_general3A_442 {dimension_numbers = #tpu.dot_dimension_numbers<[1], [1], [0], [0], [0, 0, 1, 0], [], []>, transpose_lhs_hint = false} : vector<128x128xf32>, vector<128x128xf32>, vector<128x128xf32> -> vector<128x128xf32>
    %jit3A_444 = arith.constant -3.400000e+38 : f32
    %broadcast_in_dim3A_445 = vector.broadcast %jit3A_444 : f32 to vector<128x128xf32>
    %select_n3A_446 = arith.select %eq3A, %dot_general3A_443, %broadcast_in_dim3A_445 : vector<128x128xi1>, vector<128x128xf32>
    %reduce_max3A_447 = arith.constant dense<0xFF800000> : vector<128xf32>
    %reduce_max3A_448 = vector.multi_reduction <maximumf>, %select_n3A_446, %reduce_max3A_447 [1] : vector<128x128xf32> to vector<128xf32>
    %broadcast_in_dim3A_449 = vector.shape_cast %reduce_max3A_448 : vector<128xf32> to vector<128x1xf32>
    %eq3A_450 = vector.broadcast %broadcast_in_dim3A_449 : vector<128x1xf32> to vector<128x128xf32>
    %eq3A_451 = arith.cmpf oeq, %select_n3A_446, %eq3A_450 : vector<128x128xf32>
    %jit3A_452 = arith.constant 1073741824 : i32
    %broadcast_in_dim3A_453 = vector.broadcast %jit3A_452 : i32 to vector<128x128xi32>
    %select_n3A_454 = arith.select %eq3A_451, %select_n3A_89, %broadcast_in_dim3A_453 : vector<128x128xi1>, vector<128x128xi32>
    %reduce_min3A_455 = arith.constant dense<2147483647> : vector<128xi32>
    %reduce_min3A_456 = vector.multi_reduction <minsi>, %select_n3A_454, %reduce_min3A_455 [1] : vector<128x128xi32> to vector<128xi32>
    %broadcast_in_dim3A_457 = vector.shape_cast %reduce_min3A_456 : vector<128xi32> to vector<128x1xi32>
    %eq3A_458 = vector.broadcast %broadcast_in_dim3A_457 : vector<128x1xi32> to vector<128x16xi32>
    %eq3A_459 = arith.cmpi eq, %iota3A_90, %eq3A_458 : vector<128x16xi32>
    %convert_element_type3A_460 = arith.extui %eq3A_459 : vector<128x16xi1> to vector<128x16xi32>
    %convert_element_type3A_461 = arith.sitofp %convert_element_type3A_460 : vector<128x16xi32> to vector<128x16xf32>
    %swap3A_462 = arith.constant 1152 : index
    %swap3A_463 = arith.constant 0 : index
    %swap3A_464 = vector.load %arg4[%swap3A_462, %swap3A_463] : memref<4096x16xf32, #tpu.memory_space<vmem>>, vector<128x16xf32>
    tpu.vector_store %arg4[%swap3A_462, %swap3A_463], %convert_element_type3A_461 {strides = array<i32>} : memref<4096x16xf32, #tpu.memory_space<vmem>>, vector<128x16xf32>,
    %slice3A_465 = vector.extract_strided_slice %reshape3A_13 {offsets = [1280, 0], sizes = [128, 128], strides = [1, 1]} : vector<4096x128xf32> to vector<128x128xf32>
    %lt3A_466 = arith.constant 64 : i32
    %lt3A_467 = vector.broadcast %lt3A_466 : i32 to vector<128x128xi32>
    %lt3A_468 = arith.cmpi slt, %iota3A, %lt3A_467 : vector<128x128xi32>
    %jit3A_469 = arith.constant 0.000000e+00 : f32
    %broadcast_in_dim3A_470 = vector.broadcast %jit3A_469 : f32 to vector<128x128xf32>
    %select_n3A_471 = arith.select %lt3A_468, %slice3A_465, %broadcast_in_dim3A_470 : vector<128x128xi1>, vector<128x128xf32>
    %ge3A_472 = arith.constant 64 : i32
    %ge3A_473 = vector.broadcast %ge3A_472 : i32 to vector<128x128xi32>
    %ge3A_474 = arith.cmpi sge, %iota3A, %ge3A_473 : vector<128x128xi32>
    %jit3A_475 = arith.constant 0.000000e+00 : f32
    %broadcast_in_dim3A_476 = vector.broadcast %jit3A_475 : f32 to vector<128x128xf32>
    %select_n3A_477 = arith.select %ge3A_474, %slice3A_465, %broadcast_in_dim3A_476 : vector<128x128xi1>, vector<128x128xf32>
    %roll3A_478 = arith.constant 64 : i32
    %roll3A_479 = tpu.dynamic_rotate %select_n3A_477 by %roll3A_478 dim 1 : vector<128x128xf32>, i32 -> vector<128x128xf32>
    %dot_general3A_480 = arith.constant dense<0.000000e+00> : vector<128x128xf32>
    %dot_general3A_481 = tpu.matmul %select_n3A_471, %roll3A_479, %dot_general3A_480 {dimension_numbers = #tpu.dot_dimension_numbers<[1], [1], [0], [0], [0, 0, 1, 0], [], []>, transpose_lhs_hint = false} : vector<128x128xf32>, vector<128x128xf32>, vector<128x128xf32> -> vector<128x128xf32>
    %jit3A_482 = arith.constant -3.400000e+38 : f32
    %broadcast_in_dim3A_483 = vector.broadcast %jit3A_482 : f32 to vector<128x128xf32>
    %select_n3A_484 = arith.select %eq3A, %dot_general3A_481, %broadcast_in_dim3A_483 : vector<128x128xi1>, vector<128x128xf32>
    %reduce_max3A_485 = arith.constant dense<0xFF800000> : vector<128xf32>
    %reduce_max3A_486 = vector.multi_reduction <maximumf>, %select_n3A_484, %reduce_max3A_485 [1] : vector<128x128xf32> to vector<128xf32>
    %broadcast_in_dim3A_487 = vector.shape_cast %reduce_max3A_486 : vector<128xf32> to vector<128x1xf32>
    %eq3A_488 = vector.broadcast %broadcast_in_dim3A_487 : vector<128x1xf32> to vector<128x128xf32>
    %eq3A_489 = arith.cmpf oeq, %select_n3A_484, %eq3A_488 : vector<128x128xf32>
    %jit3A_490 = arith.constant 1073741824 : i32
    %broadcast_in_dim3A_491 = vector.broadcast %jit3A_490 : i32 to vector<128x128xi32>
    %select_n3A_492 = arith.select %eq3A_489, %select_n3A_89, %broadcast_in_dim3A_491 : vector<128x128xi1>, vector<128x128xi32>
    %reduce_min3A_493 = arith.constant dense<2147483647> : vector<128xi32>
    %reduce_min3A_494 = vector.multi_reduction <minsi>, %select_n3A_492, %reduce_min3A_493 [1] : vector<128x128xi32> to vector<128xi32>
    %broadcast_in_dim3A_495 = vector.shape_cast %reduce_min3A_494 : vector<128xi32> to vector<128x1xi32>
    %eq3A_496 = vector.broadcast %broadcast_in_dim3A_495 : vector<128x1xi32> to vector<128x16xi32>
    %eq3A_497 = arith.cmpi eq, %iota3A_90, %eq3A_496 : vector<128x16xi32>
    %convert_element_type3A_498 = arith.extui %eq3A_497 : vector<128x16xi1> to vector<128x16xi32>
    %convert_element_type3A_499 = arith.sitofp %convert_element_type3A_498 : vector<128x16xi32> to vector<128x16xf32>
    %swap3A_500 = arith.constant 1280 : index
    %swap3A_501 = arith.constant 0 : index
    %swap3A_502 = vector.load %arg4[%swap3A_500, %swap3A_501] : memref<4096x16xf32, #tpu.memory_space<vmem>>, vector<128x16xf32>
    tpu.vector_store %arg4[%swap3A_500, %swap3A_501], %convert_element_type3A_499 {strides = array<i32>} : memref<4096x16xf32, #tpu.memory_space<vmem>>, vector<128x16xf32>,
    %slice3A_503 = vector.extract_strided_slice %reshape3A_13 {offsets = [1408, 0], sizes = [128, 128], strides = [1, 1]} : vector<4096x128xf32> to vector<128x128xf32>
    %lt3A_504 = arith.constant 64 : i32
    %lt3A_505 = vector.broadcast %lt3A_504 : i32 to vector<128x128xi32>
    %lt3A_506 = arith.cmpi slt, %iota3A, %lt3A_505 : vector<128x128xi32>
    %jit3A_507 = arith.constant 0.000000e+00 : f32
    %broadcast_in_dim3A_508 = vector.broadcast %jit3A_507 : f32 to vector<128x128xf32>
    %select_n3A_509 = arith.select %lt3A_506, %slice3A_503, %broadcast_in_dim3A_508 : vector<128x128xi1>, vector<128x128xf32>
    %ge3A_510 = arith.constant 64 : i32
    %ge3A_511 = vector.broadcast %ge3A_510 : i32 to vector<128x128xi32>
    %ge3A_512 = arith.cmpi sge, %iota3A, %ge3A_511 : vector<128x128xi32>
    %jit3A_513 = arith.constant 0.000000e+00 : f32
    %broadcast_in_dim3A_514 = vector.broadcast %jit3A_513 : f32 to vector<128x128xf32>
    %select_n3A_515 = arith.select %ge3A_512, %slice3A_503, %broadcast_in_dim3A_514 : vector<128x128xi1>, vector<128x128xf32>
    %roll3A_516 = arith.constant 64 : i32
    %roll3A_517 = tpu.dynamic_rotate %select_n3A_515 by %roll3A_516 dim 1 : vector<128x128xf32>, i32 -> vector<128x128xf32>
    %dot_general3A_518 = arith.constant dense<0.000000e+00> : vector<128x128xf32>
    %dot_general3A_519 = tpu.matmul %select_n3A_509, %roll3A_517, %dot_general3A_518 {dimension_numbers = #tpu.dot_dimension_numbers<[1], [1], [0], [0], [0, 0, 1, 0], [], []>, transpose_lhs_hint = false} : vector<128x128xf32>, vector<128x128xf32>, vector<128x128xf32> -> vector<128x128xf32>
    %jit3A_520 = arith.constant -3.400000e+38 : f32
    %broadcast_in_dim3A_521 = vector.broadcast %jit3A_520 : f32 to vector<128x128xf32>
    %select_n3A_522 = arith.select %eq3A, %dot_general3A_519, %broadcast_in_dim3A_521 : vector<128x128xi1>, vector<128x128xf32>
    %reduce_max3A_523 = arith.constant dense<0xFF800000> : vector<128xf32>
    %reduce_max3A_524 = vector.multi_reduction <maximumf>, %select_n3A_522, %reduce_max3A_523 [1] : vector<128x128xf32> to vector<128xf32>
    %broadcast_in_dim3A_525 = vector.shape_cast %reduce_max3A_524 : vector<128xf32> to vector<128x1xf32>
    %eq3A_526 = vector.broadcast %broadcast_in_dim3A_525 : vector<128x1xf32> to vector<128x128xf32>
    %eq3A_527 = arith.cmpf oeq, %select_n3A_522, %eq3A_526 : vector<128x128xf32>
    %jit3A_528 = arith.constant 1073741824 : i32
    %broadcast_in_dim3A_529 = vector.broadcast %jit3A_528 : i32 to vector<128x128xi32>
    %select_n3A_530 = arith.select %eq3A_527, %select_n3A_89, %broadcast_in_dim3A_529 : vector<128x128xi1>, vector<128x128xi32>
    %reduce_min3A_531 = arith.constant dense<2147483647> : vector<128xi32>
    %reduce_min3A_532 = vector.multi_reduction <minsi>, %select_n3A_530, %reduce_min3A_531 [1] : vector<128x128xi32> to vector<128xi32>
    %broadcast_in_dim3A_533 = vector.shape_cast %reduce_min3A_532 : vector<128xi32> to vector<128x1xi32>
    %eq3A_534 = vector.broadcast %broadcast_in_dim3A_533 : vector<128x1xi32> to vector<128x16xi32>
    %eq3A_535 = arith.cmpi eq, %iota3A_90, %eq3A_534 : vector<128x16xi32>
    %convert_element_type3A_536 = arith.extui %eq3A_535 : vector<128x16xi1> to vector<128x16xi32>
    %convert_element_type3A_537 = arith.sitofp %convert_element_type3A_536 : vector<128x16xi32> to vector<128x16xf32>
    %swap3A_538 = arith.constant 1408 : index
    %swap3A_539 = arith.constant 0 : index
    %swap3A_540 = vector.load %arg4[%swap3A_538, %swap3A_539] : memref<4096x16xf32, #tpu.memory_space<vmem>>, vector<128x16xf32>
    tpu.vector_store %arg4[%swap3A_538, %swap3A_539], %convert_element_type3A_537 {strides = array<i32>} : memref<4096x16xf32, #tpu.memory_space<vmem>>, vector<128x16xf32>,
    %slice3A_541 = vector.extract_strided_slice %reshape3A_13 {offsets = [1536, 0], sizes = [128, 128], strides = [1, 1]} : vector<4096x128xf32> to vector<128x128xf32>
    %lt3A_542 = arith.constant 64 : i32
    %lt3A_543 = vector.broadcast %lt3A_542 : i32 to vector<128x128xi32>
    %lt3A_544 = arith.cmpi slt, %iota3A, %lt3A_543 : vector<128x128xi32>
    %jit3A_545 = arith.constant 0.000000e+00 : f32
    %broadcast_in_dim3A_546 = vector.broadcast %jit3A_545 : f32 to vector<128x128xf32>
    %select_n3A_547 = arith.select %lt3A_544, %slice3A_541, %broadcast_in_dim3A_546 : vector<128x128xi1>, vector<128x128xf32>
    %ge3A_548 = arith.constant 64 : i32
    %ge3A_549 = vector.broadcast %ge3A_548 : i32 to vector<128x128xi32>
    %ge3A_550 = arith.cmpi sge, %iota3A, %ge3A_549 : vector<128x128xi32>
    %jit3A_551 = arith.constant 0.000000e+00 : f32
    %broadcast_in_dim3A_552 = vector.broadcast %jit3A_551 : f32 to vector<128x128xf32>
    %select_n3A_553 = arith.select %ge3A_550, %slice3A_541, %broadcast_in_dim3A_552 : vector<128x128xi1>, vector<128x128xf32>
    %roll3A_554 = arith.constant 64 : i32
    %roll3A_555 = tpu.dynamic_rotate %select_n3A_553 by %roll3A_554 dim 1 : vector<128x128xf32>, i32 -> vector<128x128xf32>
    %dot_general3A_556 = arith.constant dense<0.000000e+00> : vector<128x128xf32>
    %dot_general3A_557 = tpu.matmul %select_n3A_547, %roll3A_555, %dot_general3A_556 {dimension_numbers = #tpu.dot_dimension_numbers<[1], [1], [0], [0], [0, 0, 1, 0], [], []>, transpose_lhs_hint = false} : vector<128x128xf32>, vector<128x128xf32>, vector<128x128xf32> -> vector<128x128xf32>
    %jit3A_558 = arith.constant -3.400000e+38 : f32
    %broadcast_in_dim3A_559 = vector.broadcast %jit3A_558 : f32 to vector<128x128xf32>
    %select_n3A_560 = arith.select %eq3A, %dot_general3A_557, %broadcast_in_dim3A_559 : vector<128x128xi1>, vector<128x128xf32>
    %reduce_max3A_561 = arith.constant dense<0xFF800000> : vector<128xf32>
    %reduce_max3A_562 = vector.multi_reduction <maximumf>, %select_n3A_560, %reduce_max3A_561 [1] : vector<128x128xf32> to vector<128xf32>
    %broadcast_in_dim3A_563 = vector.shape_cast %reduce_max3A_562 : vector<128xf32> to vector<128x1xf32>
    %eq3A_564 = vector.broadcast %broadcast_in_dim3A_563 : vector<128x1xf32> to vector<128x128xf32>
    %eq3A_565 = arith.cmpf oeq, %select_n3A_560, %eq3A_564 : vector<128x128xf32>
    %jit3A_566 = arith.constant 1073741824 : i32
    %broadcast_in_dim3A_567 = vector.broadcast %jit3A_566 : i32 to vector<128x128xi32>
    %select_n3A_568 = arith.select %eq3A_565, %select_n3A_89, %broadcast_in_dim3A_567 : vector<128x128xi1>, vector<128x128xi32>
    %reduce_min3A_569 = arith.constant dense<2147483647> : vector<128xi32>
    %reduce_min3A_570 = vector.multi_reduction <minsi>, %select_n3A_568, %reduce_min3A_569 [1] : vector<128x128xi32> to vector<128xi32>
    %broadcast_in_dim3A_571 = vector.shape_cast %reduce_min3A_570 : vector<128xi32> to vector<128x1xi32>
    %eq3A_572 = vector.broadcast %broadcast_in_dim3A_571 : vector<128x1xi32> to vector<128x16xi32>
    %eq3A_573 = arith.cmpi eq, %iota3A_90, %eq3A_572 : vector<128x16xi32>
    %convert_element_type3A_574 = arith.extui %eq3A_573 : vector<128x16xi1> to vector<128x16xi32>
    %convert_element_type3A_575 = arith.sitofp %convert_element_type3A_574 : vector<128x16xi32> to vector<128x16xf32>
    %swap3A_576 = arith.constant 1536 : index
    %swap3A_577 = arith.constant 0 : index
    %swap3A_578 = vector.load %arg4[%swap3A_576, %swap3A_577] : memref<4096x16xf32, #tpu.memory_space<vmem>>, vector<128x16xf32>
    tpu.vector_store %arg4[%swap3A_576, %swap3A_577], %convert_element_type3A_575 {strides = array<i32>} : memref<4096x16xf32, #tpu.memory_space<vmem>>, vector<128x16xf32>,
    %slice3A_579 = vector.extract_strided_slice %reshape3A_13 {offsets = [1664, 0], sizes = [128, 128], strides = [1, 1]} : vector<4096x128xf32> to vector<128x128xf32>
    %lt3A_580 = arith.constant 64 : i32
    %lt3A_581 = vector.broadcast %lt3A_580 : i32 to vector<128x128xi32>
    %lt3A_582 = arith.cmpi slt, %iota3A, %lt3A_581 : vector<128x128xi32>
    %jit3A_583 = arith.constant 0.000000e+00 : f32
    %broadcast_in_dim3A_584 = vector.broadcast %jit3A_583 : f32 to vector<128x128xf32>
    %select_n3A_585 = arith.select %lt3A_582, %slice3A_579, %broadcast_in_dim3A_584 : vector<128x128xi1>, vector<128x128xf32>
    %ge3A_586 = arith.constant 64 : i32
    %ge3A_587 = vector.broadcast %ge3A_586 : i32 to vector<128x128xi32>
    %ge3A_588 = arith.cmpi sge, %iota3A, %ge3A_587 : vector<128x128xi32>
    %jit3A_589 = arith.constant 0.000000e+00 : f32
    %broadcast_in_dim3A_590 = vector.broadcast %jit3A_589 : f32 to vector<128x128xf32>
    %select_n3A_591 = arith.select %ge3A_588, %slice3A_579, %broadcast_in_dim3A_590 : vector<128x128xi1>, vector<128x128xf32>
    %roll3A_592 = arith.constant 64 : i32
    %roll3A_593 = tpu.dynamic_rotate %select_n3A_591 by %roll3A_592 dim 1 : vector<128x128xf32>, i32 -> vector<128x128xf32>
    %dot_general3A_594 = arith.constant dense<0.000000e+00> : vector<128x128xf32>
    %dot_general3A_595 = tpu.matmul %select_n3A_585, %roll3A_593, %dot_general3A_594 {dimension_numbers = #tpu.dot_dimension_numbers<[1], [1], [0], [0], [0, 0, 1, 0], [], []>, transpose_lhs_hint = false} : vector<128x128xf32>, vector<128x128xf32>, vector<128x128xf32> -> vector<128x128xf32>
    %jit3A_596 = arith.constant -3.400000e+38 : f32
    %broadcast_in_dim3A_597 = vector.broadcast %jit3A_596 : f32 to vector<128x128xf32>
    %select_n3A_598 = arith.select %eq3A, %dot_general3A_595, %broadcast_in_dim3A_597 : vector<128x128xi1>, vector<128x128xf32>
    %reduce_max3A_599 = arith.constant dense<0xFF800000> : vector<128xf32>
    %reduce_max3A_600 = vector.multi_reduction <maximumf>, %select_n3A_598, %reduce_max3A_599 [1] : vector<128x128xf32> to vector<128xf32>
    %broadcast_in_dim3A_601 = vector.shape_cast %reduce_max3A_600 : vector<128xf32> to vector<128x1xf32>
    %eq3A_602 = vector.broadcast %broadcast_in_dim3A_601 : vector<128x1xf32> to vector<128x128xf32>
    %eq3A_603 = arith.cmpf oeq, %select_n3A_598, %eq3A_602 : vector<128x128xf32>
    %jit3A_604 = arith.constant 1073741824 : i32
    %broadcast_in_dim3A_605 = vector.broadcast %jit3A_604 : i32 to vector<128x128xi32>
    %select_n3A_606 = arith.select %eq3A_603, %select_n3A_89, %broadcast_in_dim3A_605 : vector<128x128xi1>, vector<128x128xi32>
    %reduce_min3A_607 = arith.constant dense<2147483647> : vector<128xi32>
    %reduce_min3A_608 = vector.multi_reduction <minsi>, %select_n3A_606, %reduce_min3A_607 [1] : vector<128x128xi32> to vector<128xi32>
    %broadcast_in_dim3A_609 = vector.shape_cast %reduce_min3A_608 : vector<128xi32> to vector<128x1xi32>
    %eq3A_610 = vector.broadcast %broadcast_in_dim3A_609 : vector<128x1xi32> to vector<128x16xi32>
    %eq3A_611 = arith.cmpi eq, %iota3A_90, %eq3A_610 : vector<128x16xi32>
    %convert_element_type3A_612 = arith.extui %eq3A_611 : vector<128x16xi1> to vector<128x16xi32>
    %convert_element_type3A_613 = arith.sitofp %convert_element_type3A_612 : vector<128x16xi32> to vector<128x16xf32>
    %swap3A_614 = arith.constant 1664 : index
    %swap3A_615 = arith.constant 0 : index
    %swap3A_616 = vector.load %arg4[%swap3A_614, %swap3A_615] : memref<4096x16xf32, #tpu.memory_space<vmem>>, vector<128x16xf32>
    tpu.vector_store %arg4[%swap3A_614, %swap3A_615], %convert_element_type3A_613 {strides = array<i32>} : memref<4096x16xf32, #tpu.memory_space<vmem>>, vector<128x16xf32>,
    %slice3A_617 = vector.extract_strided_slice %reshape3A_13 {offsets = [1792, 0], sizes = [128, 128], strides = [1, 1]} : vector<4096x128xf32> to vector<128x128xf32>
    %lt3A_618 = arith.constant 64 : i32
    %lt3A_619 = vector.broadcast %lt3A_618 : i32 to vector<128x128xi32>
    %lt3A_620 = arith.cmpi slt, %iota3A, %lt3A_619 : vector<128x128xi32>
    %jit3A_621 = arith.constant 0.000000e+00 : f32
    %broadcast_in_dim3A_622 = vector.broadcast %jit3A_621 : f32 to vector<128x128xf32>
    %select_n3A_623 = arith.select %lt3A_620, %slice3A_617, %broadcast_in_dim3A_622 : vector<128x128xi1>, vector<128x128xf32>
    %ge3A_624 = arith.constant 64 : i32
    %ge3A_625 = vector.broadcast %ge3A_624 : i32 to vector<128x128xi32>
    %ge3A_626 = arith.cmpi sge, %iota3A, %ge3A_625 : vector<128x128xi32>
    %jit3A_627 = arith.constant 0.000000e+00 : f32
    %broadcast_in_dim3A_628 = vector.broadcast %jit3A_627 : f32 to vector<128x128xf32>
    %select_n3A_629 = arith.select %ge3A_626, %slice3A_617, %broadcast_in_dim3A_628 : vector<128x128xi1>, vector<128x128xf32>
    %roll3A_630 = arith.constant 64 : i32
    %roll3A_631 = tpu.dynamic_rotate %select_n3A_629 by %roll3A_630 dim 1 : vector<128x128xf32>, i32 -> vector<128x128xf32>
    %dot_general3A_632 = arith.constant dense<0.000000e+00> : vector<128x128xf32>
    %dot_general3A_633 = tpu.matmul %select_n3A_623, %roll3A_631, %dot_general3A_632 {dimension_numbers = #tpu.dot_dimension_numbers<[1], [1], [0], [0], [0, 0, 1, 0], [], []>, transpose_lhs_hint = false} : vector<128x128xf32>, vector<128x128xf32>, vector<128x128xf32> -> vector<128x128xf32>
    %jit3A_634 = arith.constant -3.400000e+38 : f32
    %broadcast_in_dim3A_635 = vector.broadcast %jit3A_634 : f32 to vector<128x128xf32>
    %select_n3A_636 = arith.select %eq3A, %dot_general3A_633, %broadcast_in_dim3A_635 : vector<128x128xi1>, vector<128x128xf32>
    %reduce_max3A_637 = arith.constant dense<0xFF800000> : vector<128xf32>
    %reduce_max3A_638 = vector.multi_reduction <maximumf>, %select_n3A_636, %reduce_max3A_637 [1] : vector<128x128xf32> to vector<128xf32>
    %broadcast_in_dim3A_639 = vector.shape_cast %reduce_max3A_638 : vector<128xf32> to vector<128x1xf32>
    %eq3A_640 = vector.broadcast %broadcast_in_dim3A_639 : vector<128x1xf32> to vector<128x128xf32>
    %eq3A_641 = arith.cmpf oeq, %select_n3A_636, %eq3A_640 : vector<128x128xf32>
    %jit3A_642 = arith.constant 1073741824 : i32
    %broadcast_in_dim3A_643 = vector.broadcast %jit3A_642 : i32 to vector<128x128xi32>
    %select_n3A_644 = arith.select %eq3A_641, %select_n3A_89, %broadcast_in_dim3A_643 : vector<128x128xi1>, vector<128x128xi32>
    %reduce_min3A_645 = arith.constant dense<2147483647> : vector<128xi32>
    %reduce_min3A_646 = vector.multi_reduction <minsi>, %select_n3A_644, %reduce_min3A_645 [1] : vector<128x128xi32> to vector<128xi32>
    %broadcast_in_dim3A_647 = vector.shape_cast %reduce_min3A_646 : vector<128xi32> to vector<128x1xi32>
    %eq3A_648 = vector.broadcast %broadcast_in_dim3A_647 : vector<128x1xi32> to vector<128x16xi32>
    %eq3A_649 = arith.cmpi eq, %iota3A_90, %eq3A_648 : vector<128x16xi32>
    %convert_element_type3A_650 = arith.extui %eq3A_649 : vector<128x16xi1> to vector<128x16xi32>
    %convert_element_type3A_651 = arith.sitofp %convert_element_type3A_650 : vector<128x16xi32> to vector<128x16xf32>
    %swap3A_652 = arith.constant 1792 : index
    %swap3A_653 = arith.constant 0 : index
    %swap3A_654 = vector.load %arg4[%swap3A_652, %swap3A_653] : memref<4096x16xf32, #tpu.memory_space<vmem>>, vector<128x16xf32>
    tpu.vector_store %arg4[%swap3A_652, %swap3A_653], %convert_element_type3A_651 {strides = array<i32>} : memref<4096x16xf32, #tpu.memory_space<vmem>>, vector<128x16xf32>,
    %slice3A_655 = vector.extract_strided_slice %reshape3A_13 {offsets = [1920, 0], sizes = [128, 128], strides = [1, 1]} : vector<4096x128xf32> to vector<128x128xf32>
    %lt3A_656 = arith.constant 64 : i32
    %lt3A_657 = vector.broadcast %lt3A_656 : i32 to vector<128x128xi32>
    %lt3A_658 = arith.cmpi slt, %iota3A, %lt3A_657 : vector<128x128xi32>
    %jit3A_659 = arith.constant 0.000000e+00 : f32
    %broadcast_in_dim3A_660 = vector.broadcast %jit3A_659 : f32 to vector<128x128xf32>
    %select_n3A_661 = arith.select %lt3A_658, %slice3A_655, %broadcast_in_dim3A_660 : vector<128x128xi1>, vector<128x128xf32>
    %ge3A_662 = arith.constant 64 : i32
    %ge3A_663 = vector.broadcast %ge3A_662 : i32 to vector<128x128xi32>
    %ge3A_664 = arith.cmpi sge, %iota3A, %ge3A_663 : vector<128x128xi32>
    %jit3A_665 = arith.constant 0.000000e+00 : f32
    %broadcast_in_dim3A_666 = vector.broadcast %jit3A_665 : f32 to vector<128x128xf32>
    %select_n3A_667 = arith.select %ge3A_664, %slice3A_655, %broadcast_in_dim3A_666 : vector<128x128xi1>, vector<128x128xf32>
    %roll3A_668 = arith.constant 64 : i32
    %roll3A_669 = tpu.dynamic_rotate %select_n3A_667 by %roll3A_668 dim 1 : vector<128x128xf32>, i32 -> vector<128x128xf32>
    %dot_general3A_670 = arith.constant dense<0.000000e+00> : vector<128x128xf32>
    %dot_general3A_671 = tpu.matmul %select_n3A_661, %roll3A_669, %dot_general3A_670 {dimension_numbers = #tpu.dot_dimension_numbers<[1], [1], [0], [0], [0, 0, 1, 0], [], []>, transpose_lhs_hint = false} : vector<128x128xf32>, vector<128x128xf32>, vector<128x128xf32> -> vector<128x128xf32>
    %jit3A_672 = arith.constant -3.400000e+38 : f32
    %broadcast_in_dim3A_673 = vector.broadcast %jit3A_672 : f32 to vector<128x128xf32>
    %select_n3A_674 = arith.select %eq3A, %dot_general3A_671, %broadcast_in_dim3A_673 : vector<128x128xi1>, vector<128x128xf32>
    %reduce_max3A_675 = arith.constant dense<0xFF800000> : vector<128xf32>
    %reduce_max3A_676 = vector.multi_reduction <maximumf>, %select_n3A_674, %reduce_max3A_675 [1] : vector<128x128xf32> to vector<128xf32>
    %broadcast_in_dim3A_677 = vector.shape_cast %reduce_max3A_676 : vector<128xf32> to vector<128x1xf32>
    %eq3A_678 = vector.broadcast %broadcast_in_dim3A_677 : vector<128x1xf32> to vector<128x128xf32>
    %eq3A_679 = arith.cmpf oeq, %select_n3A_674, %eq3A_678 : vector<128x128xf32>
    %jit3A_680 = arith.constant 1073741824 : i32
    %broadcast_in_dim3A_681 = vector.broadcast %jit3A_680 : i32 to vector<128x128xi32>
    %select_n3A_682 = arith.select %eq3A_679, %select_n3A_89, %broadcast_in_dim3A_681 : vector<128x128xi1>, vector<128x128xi32>
    %reduce_min3A_683 = arith.constant dense<2147483647> : vector<128xi32>
    %reduce_min3A_684 = vector.multi_reduction <minsi>, %select_n3A_682, %reduce_min3A_683 [1] : vector<128x128xi32> to vector<128xi32>
    %broadcast_in_dim3A_685 = vector.shape_cast %reduce_min3A_684 : vector<128xi32> to vector<128x1xi32>
    %eq3A_686 = vector.broadcast %broadcast_in_dim3A_685 : vector<128x1xi32> to vector<128x16xi32>
    %eq3A_687 = arith.cmpi eq, %iota3A_90, %eq3A_686 : vector<128x16xi32>
    %convert_element_type3A_688 = arith.extui %eq3A_687 : vector<128x16xi1> to vector<128x16xi32>
    %convert_element_type3A_689 = arith.sitofp %convert_element_type3A_688 : vector<128x16xi32> to vector<128x16xf32>
    %swap3A_690 = arith.constant 1920 : index
    %swap3A_691 = arith.constant 0 : index
    %swap3A_692 = vector.load %arg4[%swap3A_690, %swap3A_691] : memref<4096x16xf32, #tpu.memory_space<vmem>>, vector<128x16xf32>
    tpu.vector_store %arg4[%swap3A_690, %swap3A_691], %convert_element_type3A_689 {strides = array<i32>} : memref<4096x16xf32, #tpu.memory_space<vmem>>, vector<128x16xf32>,
    %slice3A_693 = vector.extract_strided_slice %reshape3A_13 {offsets = [2048, 0], sizes = [128, 128], strides = [1, 1]} : vector<4096x128xf32> to vector<128x128xf32>
    %lt3A_694 = arith.constant 64 : i32
    %lt3A_695 = vector.broadcast %lt3A_694 : i32 to vector<128x128xi32>
    %lt3A_696 = arith.cmpi slt, %iota3A, %lt3A_695 : vector<128x128xi32>
    %jit3A_697 = arith.constant 0.000000e+00 : f32
    %broadcast_in_dim3A_698 = vector.broadcast %jit3A_697 : f32 to vector<128x128xf32>
    %select_n3A_699 = arith.select %lt3A_696, %slice3A_693, %broadcast_in_dim3A_698 : vector<128x128xi1>, vector<128x128xf32>
    %ge3A_700 = arith.constant 64 : i32
    %ge3A_701 = vector.broadcast %ge3A_700 : i32 to vector<128x128xi32>
    %ge3A_702 = arith.cmpi sge, %iota3A, %ge3A_701 : vector<128x128xi32>
    %jit3A_703 = arith.constant 0.000000e+00 : f32
    %broadcast_in_dim3A_704 = vector.broadcast %jit3A_703 : f32 to vector<128x128xf32>
    %select_n3A_705 = arith.select %ge3A_702, %slice3A_693, %broadcast_in_dim3A_704 : vector<128x128xi1>, vector<128x128xf32>
    %roll3A_706 = arith.constant 64 : i32
    %roll3A_707 = tpu.dynamic_rotate %select_n3A_705 by %roll3A_706 dim 1 : vector<128x128xf32>, i32 -> vector<128x128xf32>
    %dot_general3A_708 = arith.constant dense<0.000000e+00> : vector<128x128xf32>
    %dot_general3A_709 = tpu.matmul %select_n3A_699, %roll3A_707, %dot_general3A_708 {dimension_numbers = #tpu.dot_dimension_numbers<[1], [1], [0], [0], [0, 0, 1, 0], [], []>, transpose_lhs_hint = false} : vector<128x128xf32>, vector<128x128xf32>, vector<128x128xf32> -> vector<128x128xf32>
    %jit3A_710 = arith.constant -3.400000e+38 : f32
    %broadcast_in_dim3A_711 = vector.broadcast %jit3A_710 : f32 to vector<128x128xf32>
    %select_n3A_712 = arith.select %eq3A, %dot_general3A_709, %broadcast_in_dim3A_711 : vector<128x128xi1>, vector<128x128xf32>
    %reduce_max3A_713 = arith.constant dense<0xFF800000> : vector<128xf32>
    %reduce_max3A_714 = vector.multi_reduction <maximumf>, %select_n3A_712, %reduce_max3A_713 [1] : vector<128x128xf32> to vector<128xf32>
    %broadcast_in_dim3A_715 = vector.shape_cast %reduce_max3A_714 : vector<128xf32> to vector<128x1xf32>
    %eq3A_716 = vector.broadcast %broadcast_in_dim3A_715 : vector<128x1xf32> to vector<128x128xf32>
    %eq3A_717 = arith.cmpf oeq, %select_n3A_712, %eq3A_716 : vector<128x128xf32>
    %jit3A_718 = arith.constant 1073741824 : i32
    %broadcast_in_dim3A_719 = vector.broadcast %jit3A_718 : i32 to vector<128x128xi32>
    %select_n3A_720 = arith.select %eq3A_717, %select_n3A_89, %broadcast_in_dim3A_719 : vector<128x128xi1>, vector<128x128xi32>
    %reduce_min3A_721 = arith.constant dense<2147483647> : vector<128xi32>
    %reduce_min3A_722 = vector.multi_reduction <minsi>, %select_n3A_720, %reduce_min3A_721 [1] : vector<128x128xi32> to vector<128xi32>
    %broadcast_in_dim3A_723 = vector.shape_cast %reduce_min3A_722 : vector<128xi32> to vector<128x1xi32>
    %eq3A_724 = vector.broadcast %broadcast_in_dim3A_723 : vector<128x1xi32> to vector<128x16xi32>
    %eq3A_725 = arith.cmpi eq, %iota3A_90, %eq3A_724 : vector<128x16xi32>
    %convert_element_type3A_726 = arith.extui %eq3A_725 : vector<128x16xi1> to vector<128x16xi32>
    %convert_element_type3A_727 = arith.sitofp %convert_element_type3A_726 : vector<128x16xi32> to vector<128x16xf32>
    %swap3A_728 = arith.constant 2048 : index
    %swap3A_729 = arith.constant 0 : index
    %swap3A_730 = vector.load %arg4[%swap3A_728, %swap3A_729] : memref<4096x16xf32, #tpu.memory_space<vmem>>, vector<128x16xf32>
    tpu.vector_store %arg4[%swap3A_728, %swap3A_729], %convert_element_type3A_727 {strides = array<i32>} : memref<4096x16xf32, #tpu.memory_space<vmem>>, vector<128x16xf32>,
    %slice3A_731 = vector.extract_strided_slice %reshape3A_13 {offsets = [2176, 0], sizes = [128, 128], strides = [1, 1]} : vector<4096x128xf32> to vector<128x128xf32>
    %lt3A_732 = arith.constant 64 : i32
    %lt3A_733 = vector.broadcast %lt3A_732 : i32 to vector<128x128xi32>
    %lt3A_734 = arith.cmpi slt, %iota3A, %lt3A_733 : vector<128x128xi32>
    %jit3A_735 = arith.constant 0.000000e+00 : f32
    %broadcast_in_dim3A_736 = vector.broadcast %jit3A_735 : f32 to vector<128x128xf32>
    %select_n3A_737 = arith.select %lt3A_734, %slice3A_731, %broadcast_in_dim3A_736 : vector<128x128xi1>, vector<128x128xf32>
    %ge3A_738 = arith.constant 64 : i32
    %ge3A_739 = vector.broadcast %ge3A_738 : i32 to vector<128x128xi32>
    %ge3A_740 = arith.cmpi sge, %iota3A, %ge3A_739 : vector<128x128xi32>
    %jit3A_741 = arith.constant 0.000000e+00 : f32
    %broadcast_in_dim3A_742 = vector.broadcast %jit3A_741 : f32 to vector<128x128xf32>
    %select_n3A_743 = arith.select %ge3A_740, %slice3A_731, %broadcast_in_dim3A_742 : vector<128x128xi1>, vector<128x128xf32>
    %roll3A_744 = arith.constant 64 : i32
    %roll3A_745 = tpu.dynamic_rotate %select_n3A_743 by %roll3A_744 dim 1 : vector<128x128xf32>, i32 -> vector<128x128xf32>
    %dot_general3A_746 = arith.constant dense<0.000000e+00> : vector<128x128xf32>
    %dot_general3A_747 = tpu.matmul %select_n3A_737, %roll3A_745, %dot_general3A_746 {dimension_numbers = #tpu.dot_dimension_numbers<[1], [1], [0], [0], [0, 0, 1, 0], [], []>, transpose_lhs_hint = false} : vector<128x128xf32>, vector<128x128xf32>, vector<128x128xf32> -> vector<128x128xf32>
    %jit3A_748 = arith.constant -3.400000e+38 : f32
    %broadcast_in_dim3A_749 = vector.broadcast %jit3A_748 : f32 to vector<128x128xf32>
    %select_n3A_750 = arith.select %eq3A, %dot_general3A_747, %broadcast_in_dim3A_749 : vector<128x128xi1>, vector<128x128xf32>
    %reduce_max3A_751 = arith.constant dense<0xFF800000> : vector<128xf32>
    %reduce_max3A_752 = vector.multi_reduction <maximumf>, %select_n3A_750, %reduce_max3A_751 [1] : vector<128x128xf32> to vector<128xf32>
    %broadcast_in_dim3A_753 = vector.shape_cast %reduce_max3A_752 : vector<128xf32> to vector<128x1xf32>
    %eq3A_754 = vector.broadcast %broadcast_in_dim3A_753 : vector<128x1xf32> to vector<128x128xf32>
    %eq3A_755 = arith.cmpf oeq, %select_n3A_750, %eq3A_754 : vector<128x128xf32>
    %jit3A_756 = arith.constant 1073741824 : i32
    %broadcast_in_dim3A_757 = vector.broadcast %jit3A_756 : i32 to vector<128x128xi32>
    %select_n3A_758 = arith.select %eq3A_755, %select_n3A_89, %broadcast_in_dim3A_757 : vector<128x128xi1>, vector<128x128xi32>
    %reduce_min3A_759 = arith.constant dense<2147483647> : vector<128xi32>
    %reduce_min3A_760 = vector.multi_reduction <minsi>, %select_n3A_758, %reduce_min3A_759 [1] : vector<128x128xi32> to vector<128xi32>
    %broadcast_in_dim3A_761 = vector.shape_cast %reduce_min3A_760 : vector<128xi32> to vector<128x1xi32>
    %eq3A_762 = vector.broadcast %broadcast_in_dim3A_761 : vector<128x1xi32> to vector<128x16xi32>
    %eq3A_763 = arith.cmpi eq, %iota3A_90, %eq3A_762 : vector<128x16xi32>
    %convert_element_type3A_764 = arith.extui %eq3A_763 : vector<128x16xi1> to vector<128x16xi32>
    %convert_element_type3A_765 = arith.sitofp %convert_element_type3A_764 : vector<128x16xi32> to vector<128x16xf32>
    %swap3A_766 = arith.constant 2176 : index
    %swap3A_767 = arith.constant 0 : index
    %swap3A_768 = vector.load %arg4[%swap3A_766, %swap3A_767] : memref<4096x16xf32, #tpu.memory_space<vmem>>, vector<128x16xf32>
    tpu.vector_store %arg4[%swap3A_766, %swap3A_767], %convert_element_type3A_765 {strides = array<i32>} : memref<4096x16xf32, #tpu.memory_space<vmem>>, vector<128x16xf32>,
    %slice3A_769 = vector.extract_strided_slice %reshape3A_13 {offsets = [2304, 0], sizes = [128, 128], strides = [1, 1]} : vector<4096x128xf32> to vector<128x128xf32>
    %lt3A_770 = arith.constant 64 : i32
    %lt3A_771 = vector.broadcast %lt3A_770 : i32 to vector<128x128xi32>
    %lt3A_772 = arith.cmpi slt, %iota3A, %lt3A_771 : vector<128x128xi32>
    %jit3A_773 = arith.constant 0.000000e+00 : f32
    %broadcast_in_dim3A_774 = vector.broadcast %jit3A_773 : f32 to vector<128x128xf32>
    %select_n3A_775 = arith.select %lt3A_772, %slice3A_769, %broadcast_in_dim3A_774 : vector<128x128xi1>, vector<128x128xf32>
    %ge3A_776 = arith.constant 64 : i32
    %ge3A_777 = vector.broadcast %ge3A_776 : i32 to vector<128x128xi32>
    %ge3A_778 = arith.cmpi sge, %iota3A, %ge3A_777 : vector<128x128xi32>
    %jit3A_779 = arith.constant 0.000000e+00 : f32
    %broadcast_in_dim3A_780 = vector.broadcast %jit3A_779 : f32 to vector<128x128xf32>
    %select_n3A_781 = arith.select %ge3A_778, %slice3A_769, %broadcast_in_dim3A_780 : vector<128x128xi1>, vector<128x128xf32>
    %roll3A_782 = arith.constant 64 : i32
    %roll3A_783 = tpu.dynamic_rotate %select_n3A_781 by %roll3A_782 dim 1 : vector<128x128xf32>, i32 -> vector<128x128xf32>
    %dot_general3A_784 = arith.constant dense<0.000000e+00> : vector<128x128xf32>
    %dot_general3A_785 = tpu.matmul %select_n3A_775, %roll3A_783, %dot_general3A_784 {dimension_numbers = #tpu.dot_dimension_numbers<[1], [1], [0], [0], [0, 0, 1, 0], [], []>, transpose_lhs_hint = false} : vector<128x128xf32>, vector<128x128xf32>, vector<128x128xf32> -> vector<128x128xf32>
    %jit3A_786 = arith.constant -3.400000e+38 : f32
    %broadcast_in_dim3A_787 = vector.broadcast %jit3A_786 : f32 to vector<128x128xf32>
    %select_n3A_788 = arith.select %eq3A, %dot_general3A_785, %broadcast_in_dim3A_787 : vector<128x128xi1>, vector<128x128xf32>
    %reduce_max3A_789 = arith.constant dense<0xFF800000> : vector<128xf32>
    %reduce_max3A_790 = vector.multi_reduction <maximumf>, %select_n3A_788, %reduce_max3A_789 [1] : vector<128x128xf32> to vector<128xf32>
    %broadcast_in_dim3A_791 = vector.shape_cast %reduce_max3A_790 : vector<128xf32> to vector<128x1xf32>
    %eq3A_792 = vector.broadcast %broadcast_in_dim3A_791 : vector<128x1xf32> to vector<128x128xf32>
    %eq3A_793 = arith.cmpf oeq, %select_n3A_788, %eq3A_792 : vector<128x128xf32>
    %jit3A_794 = arith.constant 1073741824 : i32
    %broadcast_in_dim3A_795 = vector.broadcast %jit3A_794 : i32 to vector<128x128xi32>
    %select_n3A_796 = arith.select %eq3A_793, %select_n3A_89, %broadcast_in_dim3A_795 : vector<128x128xi1>, vector<128x128xi32>
    %reduce_min3A_797 = arith.constant dense<2147483647> : vector<128xi32>
    %reduce_min3A_798 = vector.multi_reduction <minsi>, %select_n3A_796, %reduce_min3A_797 [1] : vector<128x128xi32> to vector<128xi32>
    %broadcast_in_dim3A_799 = vector.shape_cast %reduce_min3A_798 : vector<128xi32> to vector<128x1xi32>
    %eq3A_800 = vector.broadcast %broadcast_in_dim3A_799 : vector<128x1xi32> to vector<128x16xi32>
    %eq3A_801 = arith.cmpi eq, %iota3A_90, %eq3A_800 : vector<128x16xi32>
    %convert_element_type3A_802 = arith.extui %eq3A_801 : vector<128x16xi1> to vector<128x16xi32>
    %convert_element_type3A_803 = arith.sitofp %convert_element_type3A_802 : vector<128x16xi32> to vector<128x16xf32>
    %swap3A_804 = arith.constant 2304 : index
    %swap3A_805 = arith.constant 0 : index
    %swap3A_806 = vector.load %arg4[%swap3A_804, %swap3A_805] : memref<4096x16xf32, #tpu.memory_space<vmem>>, vector<128x16xf32>
    tpu.vector_store %arg4[%swap3A_804, %swap3A_805], %convert_element_type3A_803 {strides = array<i32>} : memref<4096x16xf32, #tpu.memory_space<vmem>>, vector<128x16xf32>,
    %slice3A_807 = vector.extract_strided_slice %reshape3A_13 {offsets = [2432, 0], sizes = [128, 128], strides = [1, 1]} : vector<4096x128xf32> to vector<128x128xf32>
    %lt3A_808 = arith.constant 64 : i32
    %lt3A_809 = vector.broadcast %lt3A_808 : i32 to vector<128x128xi32>
    %lt3A_810 = arith.cmpi slt, %iota3A, %lt3A_809 : vector<128x128xi32>
    %jit3A_811 = arith.constant 0.000000e+00 : f32
    %broadcast_in_dim3A_812 = vector.broadcast %jit3A_811 : f32 to vector<128x128xf32>
    %select_n3A_813 = arith.select %lt3A_810, %slice3A_807, %broadcast_in_dim3A_812 : vector<128x128xi1>, vector<128x128xf32>
    %ge3A_814 = arith.constant 64 : i32
    %ge3A_815 = vector.broadcast %ge3A_814 : i32 to vector<128x128xi32>
    %ge3A_816 = arith.cmpi sge, %iota3A, %ge3A_815 : vector<128x128xi32>
    %jit3A_817 = arith.constant 0.000000e+00 : f32
    %broadcast_in_dim3A_818 = vector.broadcast %jit3A_817 : f32 to vector<128x128xf32>
    %select_n3A_819 = arith.select %ge3A_816, %slice3A_807, %broadcast_in_dim3A_818 : vector<128x128xi1>, vector<128x128xf32>
    %roll3A_820 = arith.constant 64 : i32
    %roll3A_821 = tpu.dynamic_rotate %select_n3A_819 by %roll3A_820 dim 1 : vector<128x128xf32>, i32 -> vector<128x128xf32>
    %dot_general3A_822 = arith.constant dense<0.000000e+00> : vector<128x128xf32>
    %dot_general3A_823 = tpu.matmul %select_n3A_813, %roll3A_821, %dot_general3A_822 {dimension_numbers = #tpu.dot_dimension_numbers<[1], [1], [0], [0], [0, 0, 1, 0], [], []>, transpose_lhs_hint = false} : vector<128x128xf32>, vector<128x128xf32>, vector<128x128xf32> -> vector<128x128xf32>
    %jit3A_824 = arith.constant -3.400000e+38 : f32
    %broadcast_in_dim3A_825 = vector.broadcast %jit3A_824 : f32 to vector<128x128xf32>
    %select_n3A_826 = arith.select %eq3A, %dot_general3A_823, %broadcast_in_dim3A_825 : vector<128x128xi1>, vector<128x128xf32>
    %reduce_max3A_827 = arith.constant dense<0xFF800000> : vector<128xf32>
    %reduce_max3A_828 = vector.multi_reduction <maximumf>, %select_n3A_826, %reduce_max3A_827 [1] : vector<128x128xf32> to vector<128xf32>
    %broadcast_in_dim3A_829 = vector.shape_cast %reduce_max3A_828 : vector<128xf32> to vector<128x1xf32>
    %eq3A_830 = vector.broadcast %broadcast_in_dim3A_829 : vector<128x1xf32> to vector<128x128xf32>
    %eq3A_831 = arith.cmpf oeq, %select_n3A_826, %eq3A_830 : vector<128x128xf32>
    %jit3A_832 = arith.constant 1073741824 : i32
    %broadcast_in_dim3A_833 = vector.broadcast %jit3A_832 : i32 to vector<128x128xi32>
    %select_n3A_834 = arith.select %eq3A_831, %select_n3A_89, %broadcast_in_dim3A_833 : vector<128x128xi1>, vector<128x128xi32>
    %reduce_min3A_835 = arith.constant dense<2147483647> : vector<128xi32>
    %reduce_min3A_836 = vector.multi_reduction <minsi>, %select_n3A_834, %reduce_min3A_835 [1] : vector<128x128xi32> to vector<128xi32>
    %broadcast_in_dim3A_837 = vector.shape_cast %reduce_min3A_836 : vector<128xi32> to vector<128x1xi32>
    %eq3A_838 = vector.broadcast %broadcast_in_dim3A_837 : vector<128x1xi32> to vector<128x16xi32>
    %eq3A_839 = arith.cmpi eq, %iota3A_90, %eq3A_838 : vector<128x16xi32>
    %convert_element_type3A_840 = arith.extui %eq3A_839 : vector<128x16xi1> to vector<128x16xi32>
    %convert_element_type3A_841 = arith.sitofp %convert_element_type3A_840 : vector<128x16xi32> to vector<128x16xf32>
    %swap3A_842 = arith.constant 2432 : index
    %swap3A_843 = arith.constant 0 : index
    %swap3A_844 = vector.load %arg4[%swap3A_842, %swap3A_843] : memref<4096x16xf32, #tpu.memory_space<vmem>>, vector<128x16xf32>
    tpu.vector_store %arg4[%swap3A_842, %swap3A_843], %convert_element_type3A_841 {strides = array<i32>} : memref<4096x16xf32, #tpu.memory_space<vmem>>, vector<128x16xf32>,
    %slice3A_845 = vector.extract_strided_slice %reshape3A_13 {offsets = [2560, 0], sizes = [128, 128], strides = [1, 1]} : vector<4096x128xf32> to vector<128x128xf32>
    %lt3A_846 = arith.constant 64 : i32
    %lt3A_847 = vector.broadcast %lt3A_846 : i32 to vector<128x128xi32>
    %lt3A_848 = arith.cmpi slt, %iota3A, %lt3A_847 : vector<128x128xi32>
    %jit3A_849 = arith.constant 0.000000e+00 : f32
    %broadcast_in_dim3A_850 = vector.broadcast %jit3A_849 : f32 to vector<128x128xf32>
    %select_n3A_851 = arith.select %lt3A_848, %slice3A_845, %broadcast_in_dim3A_850 : vector<128x128xi1>, vector<128x128xf32>
    %ge3A_852 = arith.constant 64 : i32
    %ge3A_853 = vector.broadcast %ge3A_852 : i32 to vector<128x128xi32>
    %ge3A_854 = arith.cmpi sge, %iota3A, %ge3A_853 : vector<128x128xi32>
    %jit3A_855 = arith.constant 0.000000e+00 : f32
    %broadcast_in_dim3A_856 = vector.broadcast %jit3A_855 : f32 to vector<128x128xf32>
    %select_n3A_857 = arith.select %ge3A_854, %slice3A_845, %broadcast_in_dim3A_856 : vector<128x128xi1>, vector<128x128xf32>
    %roll3A_858 = arith.constant 64 : i32
    %roll3A_859 = tpu.dynamic_rotate %select_n3A_857 by %roll3A_858 dim 1 : vector<128x128xf32>, i32 -> vector<128x128xf32>
    %dot_general3A_860 = arith.constant dense<0.000000e+00> : vector<128x128xf32>
    %dot_general3A_861 = tpu.matmul %select_n3A_851, %roll3A_859, %dot_general3A_860 {dimension_numbers = #tpu.dot_dimension_numbers<[1], [1], [0], [0], [0, 0, 1, 0], [], []>, transpose_lhs_hint = false} : vector<128x128xf32>, vector<128x128xf32>, vector<128x128xf32> -> vector<128x128xf32>
    %jit3A_862 = arith.constant -3.400000e+38 : f32
    %broadcast_in_dim3A_863 = vector.broadcast %jit3A_862 : f32 to vector<128x128xf32>
    %select_n3A_864 = arith.select %eq3A, %dot_general3A_861, %broadcast_in_dim3A_863 : vector<128x128xi1>, vector<128x128xf32>
    %reduce_max3A_865 = arith.constant dense<0xFF800000> : vector<128xf32>
    %reduce_max3A_866 = vector.multi_reduction <maximumf>, %select_n3A_864, %reduce_max3A_865 [1] : vector<128x128xf32> to vector<128xf32>
    %broadcast_in_dim3A_867 = vector.shape_cast %reduce_max3A_866 : vector<128xf32> to vector<128x1xf32>
    %eq3A_868 = vector.broadcast %broadcast_in_dim3A_867 : vector<128x1xf32> to vector<128x128xf32>
    %eq3A_869 = arith.cmpf oeq, %select_n3A_864, %eq3A_868 : vector<128x128xf32>
    %jit3A_870 = arith.constant 1073741824 : i32
    %broadcast_in_dim3A_871 = vector.broadcast %jit3A_870 : i32 to vector<128x128xi32>
    %select_n3A_872 = arith.select %eq3A_869, %select_n3A_89, %broadcast_in_dim3A_871 : vector<128x128xi1>, vector<128x128xi32>
    %reduce_min3A_873 = arith.constant dense<2147483647> : vector<128xi32>
    %reduce_min3A_874 = vector.multi_reduction <minsi>, %select_n3A_872, %reduce_min3A_873 [1] : vector<128x128xi32> to vector<128xi32>
    %broadcast_in_dim3A_875 = vector.shape_cast %reduce_min3A_874 : vector<128xi32> to vector<128x1xi32>
    %eq3A_876 = vector.broadcast %broadcast_in_dim3A_875 : vector<128x1xi32> to vector<128x16xi32>
    %eq3A_877 = arith.cmpi eq, %iota3A_90, %eq3A_876 : vector<128x16xi32>
    %convert_element_type3A_878 = arith.extui %eq3A_877 : vector<128x16xi1> to vector<128x16xi32>
    %convert_element_type3A_879 = arith.sitofp %convert_element_type3A_878 : vector<128x16xi32> to vector<128x16xf32>
    %swap3A_880 = arith.constant 2560 : index
    %swap3A_881 = arith.constant 0 : index
    %swap3A_882 = vector.load %arg4[%swap3A_880, %swap3A_881] : memref<4096x16xf32, #tpu.memory_space<vmem>>, vector<128x16xf32>
    tpu.vector_store %arg4[%swap3A_880, %swap3A_881], %convert_element_type3A_879 {strides = array<i32>} : memref<4096x16xf32, #tpu.memory_space<vmem>>, vector<128x16xf32>,
    %slice3A_883 = vector.extract_strided_slice %reshape3A_13 {offsets = [2688, 0], sizes = [128, 128], strides = [1, 1]} : vector<4096x128xf32> to vector<128x128xf32>
    %lt3A_884 = arith.constant 64 : i32
    %lt3A_885 = vector.broadcast %lt3A_884 : i32 to vector<128x128xi32>
    %lt3A_886 = arith.cmpi slt, %iota3A, %lt3A_885 : vector<128x128xi32>
    %jit3A_887 = arith.constant 0.000000e+00 : f32
    %broadcast_in_dim3A_888 = vector.broadcast %jit3A_887 : f32 to vector<128x128xf32>
    %select_n3A_889 = arith.select %lt3A_886, %slice3A_883, %broadcast_in_dim3A_888 : vector<128x128xi1>, vector<128x128xf32>
    %ge3A_890 = arith.constant 64 : i32
    %ge3A_891 = vector.broadcast %ge3A_890 : i32 to vector<128x128xi32>
    %ge3A_892 = arith.cmpi sge, %iota3A, %ge3A_891 : vector<128x128xi32>
    %jit3A_893 = arith.constant 0.000000e+00 : f32
    %broadcast_in_dim3A_894 = vector.broadcast %jit3A_893 : f32 to vector<128x128xf32>
    %select_n3A_895 = arith.select %ge3A_892, %slice3A_883, %broadcast_in_dim3A_894 : vector<128x128xi1>, vector<128x128xf32>
    %roll3A_896 = arith.constant 64 : i32
    %roll3A_897 = tpu.dynamic_rotate %select_n3A_895 by %roll3A_896 dim 1 : vector<128x128xf32>, i32 -> vector<128x128xf32>
    %dot_general3A_898 = arith.constant dense<0.000000e+00> : vector<128x128xf32>
    %dot_general3A_899 = tpu.matmul %select_n3A_889, %roll3A_897, %dot_general3A_898 {dimension_numbers = #tpu.dot_dimension_numbers<[1], [1], [0], [0], [0, 0, 1, 0], [], []>, transpose_lhs_hint = false} : vector<128x128xf32>, vector<128x128xf32>, vector<128x128xf32> -> vector<128x128xf32>
    %jit3A_900 = arith.constant -3.400000e+38 : f32
    %broadcast_in_dim3A_901 = vector.broadcast %jit3A_900 : f32 to vector<128x128xf32>
    %select_n3A_902 = arith.select %eq3A, %dot_general3A_899, %broadcast_in_dim3A_901 : vector<128x128xi1>, vector<128x128xf32>
    %reduce_max3A_903 = arith.constant dense<0xFF800000> : vector<128xf32>
    %reduce_max3A_904 = vector.multi_reduction <maximumf>, %select_n3A_902, %reduce_max3A_903 [1] : vector<128x128xf32> to vector<128xf32>
    %broadcast_in_dim3A_905 = vector.shape_cast %reduce_max3A_904 : vector<128xf32> to vector<128x1xf32>
    %eq3A_906 = vector.broadcast %broadcast_in_dim3A_905 : vector<128x1xf32> to vector<128x128xf32>
    %eq3A_907 = arith.cmpf oeq, %select_n3A_902, %eq3A_906 : vector<128x128xf32>
    %jit3A_908 = arith.constant 1073741824 : i32
    %broadcast_in_dim3A_909 = vector.broadcast %jit3A_908 : i32 to vector<128x128xi32>
    %select_n3A_910 = arith.select %eq3A_907, %select_n3A_89, %broadcast_in_dim3A_909 : vector<128x128xi1>, vector<128x128xi32>
    %reduce_min3A_911 = arith.constant dense<2147483647> : vector<128xi32>
    %reduce_min3A_912 = vector.multi_reduction <minsi>, %select_n3A_910, %reduce_min3A_911 [1] : vector<128x128xi32> to vector<128xi32>
    %broadcast_in_dim3A_913 = vector.shape_cast %reduce_min3A_912 : vector<128xi32> to vector<128x1xi32>
    %eq3A_914 = vector.broadcast %broadcast_in_dim3A_913 : vector<128x1xi32> to vector<128x16xi32>
    %eq3A_915 = arith.cmpi eq, %iota3A_90, %eq3A_914 : vector<128x16xi32>
    %convert_element_type3A_916 = arith.extui %eq3A_915 : vector<128x16xi1> to vector<128x16xi32>
    %convert_element_type3A_917 = arith.sitofp %convert_element_type3A_916 : vector<128x16xi32> to vector<128x16xf32>
    %swap3A_918 = arith.constant 2688 : index
    %swap3A_919 = arith.constant 0 : index
    %swap3A_920 = vector.load %arg4[%swap3A_918, %swap3A_919] : memref<4096x16xf32, #tpu.memory_space<vmem>>, vector<128x16xf32>
    tpu.vector_store %arg4[%swap3A_918, %swap3A_919], %convert_element_type3A_917 {strides = array<i32>} : memref<4096x16xf32, #tpu.memory_space<vmem>>, vector<128x16xf32>,
    %slice3A_921 = vector.extract_strided_slice %reshape3A_13 {offsets = [2816, 0], sizes = [128, 128], strides = [1, 1]} : vector<4096x128xf32> to vector<128x128xf32>
    %lt3A_922 = arith.constant 64 : i32
    %lt3A_923 = vector.broadcast %lt3A_922 : i32 to vector<128x128xi32>
    %lt3A_924 = arith.cmpi slt, %iota3A, %lt3A_923 : vector<128x128xi32>
    %jit3A_925 = arith.constant 0.000000e+00 : f32
    %broadcast_in_dim3A_926 = vector.broadcast %jit3A_925 : f32 to vector<128x128xf32>
    %select_n3A_927 = arith.select %lt3A_924, %slice3A_921, %broadcast_in_dim3A_926 : vector<128x128xi1>, vector<128x128xf32>
    %ge3A_928 = arith.constant 64 : i32
    %ge3A_929 = vector.broadcast %ge3A_928 : i32 to vector<128x128xi32>
    %ge3A_930 = arith.cmpi sge, %iota3A, %ge3A_929 : vector<128x128xi32>
    %jit3A_931 = arith.constant 0.000000e+00 : f32
    %broadcast_in_dim3A_932 = vector.broadcast %jit3A_931 : f32 to vector<128x128xf32>
    %select_n3A_933 = arith.select %ge3A_930, %slice3A_921, %broadcast_in_dim3A_932 : vector<128x128xi1>, vector<128x128xf32>
    %roll3A_934 = arith.constant 64 : i32
    %roll3A_935 = tpu.dynamic_rotate %select_n3A_933 by %roll3A_934 dim 1 : vector<128x128xf32>, i32 -> vector<128x128xf32>
    %dot_general3A_936 = arith.constant dense<0.000000e+00> : vector<128x128xf32>
    %dot_general3A_937 = tpu.matmul %select_n3A_927, %roll3A_935, %dot_general3A_936 {dimension_numbers = #tpu.dot_dimension_numbers<[1], [1], [0], [0], [0, 0, 1, 0], [], []>, transpose_lhs_hint = false} : vector<128x128xf32>, vector<128x128xf32>, vector<128x128xf32> -> vector<128x128xf32>
    %jit3A_938 = arith.constant -3.400000e+38 : f32
    %broadcast_in_dim3A_939 = vector.broadcast %jit3A_938 : f32 to vector<128x128xf32>
    %select_n3A_940 = arith.select %eq3A, %dot_general3A_937, %broadcast_in_dim3A_939 : vector<128x128xi1>, vector<128x128xf32>
    %reduce_max3A_941 = arith.constant dense<0xFF800000> : vector<128xf32>
    %reduce_max3A_942 = vector.multi_reduction <maximumf>, %select_n3A_940, %reduce_max3A_941 [1] : vector<128x128xf32> to vector<128xf32>
    %broadcast_in_dim3A_943 = vector.shape_cast %reduce_max3A_942 : vector<128xf32> to vector<128x1xf32>
    %eq3A_944 = vector.broadcast %broadcast_in_dim3A_943 : vector<128x1xf32> to vector<128x128xf32>
    %eq3A_945 = arith.cmpf oeq, %select_n3A_940, %eq3A_944 : vector<128x128xf32>
    %jit3A_946 = arith.constant 1073741824 : i32
    %broadcast_in_dim3A_947 = vector.broadcast %jit3A_946 : i32 to vector<128x128xi32>
    %select_n3A_948 = arith.select %eq3A_945, %select_n3A_89, %broadcast_in_dim3A_947 : vector<128x128xi1>, vector<128x128xi32>
    %reduce_min3A_949 = arith.constant dense<2147483647> : vector<128xi32>
    %reduce_min3A_950 = vector.multi_reduction <minsi>, %select_n3A_948, %reduce_min3A_949 [1] : vector<128x128xi32> to vector<128xi32>
    %broadcast_in_dim3A_951 = vector.shape_cast %reduce_min3A_950 : vector<128xi32> to vector<128x1xi32>
    %eq3A_952 = vector.broadcast %broadcast_in_dim3A_951 : vector<128x1xi32> to vector<128x16xi32>
    %eq3A_953 = arith.cmpi eq, %iota3A_90, %eq3A_952 : vector<128x16xi32>
    %convert_element_type3A_954 = arith.extui %eq3A_953 : vector<128x16xi1> to vector<128x16xi32>
    %convert_element_type3A_955 = arith.sitofp %convert_element_type3A_954 : vector<128x16xi32> to vector<128x16xf32>
    %swap3A_956 = arith.constant 2816 : index
    %swap3A_957 = arith.constant 0 : index
    %swap3A_958 = vector.load %arg4[%swap3A_956, %swap3A_957] : memref<4096x16xf32, #tpu.memory_space<vmem>>, vector<128x16xf32>
    tpu.vector_store %arg4[%swap3A_956, %swap3A_957], %convert_element_type3A_955 {strides = array<i32>} : memref<4096x16xf32, #tpu.memory_space<vmem>>, vector<128x16xf32>,
    %slice3A_959 = vector.extract_strided_slice %reshape3A_13 {offsets = [2944, 0], sizes = [128, 128], strides = [1, 1]} : vector<4096x128xf32> to vector<128x128xf32>
    %lt3A_960 = arith.constant 64 : i32
    %lt3A_961 = vector.broadcast %lt3A_960 : i32 to vector<128x128xi32>
    %lt3A_962 = arith.cmpi slt, %iota3A, %lt3A_961 : vector<128x128xi32>
    %jit3A_963 = arith.constant 0.000000e+00 : f32
    %broadcast_in_dim3A_964 = vector.broadcast %jit3A_963 : f32 to vector<128x128xf32>
    %select_n3A_965 = arith.select %lt3A_962, %slice3A_959, %broadcast_in_dim3A_964 : vector<128x128xi1>, vector<128x128xf32>
    %ge3A_966 = arith.constant 64 : i32
    %ge3A_967 = vector.broadcast %ge3A_966 : i32 to vector<128x128xi32>
    %ge3A_968 = arith.cmpi sge, %iota3A, %ge3A_967 : vector<128x128xi32>
    %jit3A_969 = arith.constant 0.000000e+00 : f32
    %broadcast_in_dim3A_970 = vector.broadcast %jit3A_969 : f32 to vector<128x128xf32>
    %select_n3A_971 = arith.select %ge3A_968, %slice3A_959, %broadcast_in_dim3A_970 : vector<128x128xi1>, vector<128x128xf32>
    %roll3A_972 = arith.constant 64 : i32
    %roll3A_973 = tpu.dynamic_rotate %select_n3A_971 by %roll3A_972 dim 1 : vector<128x128xf32>, i32 -> vector<128x128xf32>
    %dot_general3A_974 = arith.constant dense<0.000000e+00> : vector<128x128xf32>
    %dot_general3A_975 = tpu.matmul %select_n3A_965, %roll3A_973, %dot_general3A_974 {dimension_numbers = #tpu.dot_dimension_numbers<[1], [1], [0], [0], [0, 0, 1, 0], [], []>, transpose_lhs_hint = false} : vector<128x128xf32>, vector<128x128xf32>, vector<128x128xf32> -> vector<128x128xf32>
    %jit3A_976 = arith.constant -3.400000e+38 : f32
    %broadcast_in_dim3A_977 = vector.broadcast %jit3A_976 : f32 to vector<128x128xf32>
    %select_n3A_978 = arith.select %eq3A, %dot_general3A_975, %broadcast_in_dim3A_977 : vector<128x128xi1>, vector<128x128xf32>
    %reduce_max3A_979 = arith.constant dense<0xFF800000> : vector<128xf32>
    %reduce_max3A_980 = vector.multi_reduction <maximumf>, %select_n3A_978, %reduce_max3A_979 [1] : vector<128x128xf32> to vector<128xf32>
    %broadcast_in_dim3A_981 = vector.shape_cast %reduce_max3A_980 : vector<128xf32> to vector<128x1xf32>
    %eq3A_982 = vector.broadcast %broadcast_in_dim3A_981 : vector<128x1xf32> to vector<128x128xf32>
    %eq3A_983 = arith.cmpf oeq, %select_n3A_978, %eq3A_982 : vector<128x128xf32>
    %jit3A_984 = arith.constant 1073741824 : i32
    %broadcast_in_dim3A_985 = vector.broadcast %jit3A_984 : i32 to vector<128x128xi32>
    %select_n3A_986 = arith.select %eq3A_983, %select_n3A_89, %broadcast_in_dim3A_985 : vector<128x128xi1>, vector<128x128xi32>
    %reduce_min3A_987 = arith.constant dense<2147483647> : vector<128xi32>
    %reduce_min3A_988 = vector.multi_reduction <minsi>, %select_n3A_986, %reduce_min3A_987 [1] : vector<128x128xi32> to vector<128xi32>
    %broadcast_in_dim3A_989 = vector.shape_cast %reduce_min3A_988 : vector<128xi32> to vector<128x1xi32>
    %eq3A_990 = vector.broadcast %broadcast_in_dim3A_989 : vector<128x1xi32> to vector<128x16xi32>
    %eq3A_991 = arith.cmpi eq, %iota3A_90, %eq3A_990 : vector<128x16xi32>
    %convert_element_type3A_992 = arith.extui %eq3A_991 : vector<128x16xi1> to vector<128x16xi32>
    %convert_element_type3A_993 = arith.sitofp %convert_element_type3A_992 : vector<128x16xi32> to vector<128x16xf32>
    %swap3A_994 = arith.constant 2944 : index
    %swap3A_995 = arith.constant 0 : index
    %swap3A_996 = vector.load %arg4[%swap3A_994, %swap3A_995] : memref<4096x16xf32, #tpu.memory_space<vmem>>, vector<128x16xf32>
    tpu.vector_store %arg4[%swap3A_994, %swap3A_995], %convert_element_type3A_993 {strides = array<i32>} : memref<4096x16xf32, #tpu.memory_space<vmem>>, vector<128x16xf32>,
    %slice3A_997 = vector.extract_strided_slice %reshape3A_13 {offsets = [3072, 0], sizes = [128, 128], strides = [1, 1]} : vector<4096x128xf32> to vector<128x128xf32>
    %lt3A_998 = arith.constant 64 : i32
    %lt3A_999 = vector.broadcast %lt3A_998 : i32 to vector<128x128xi32>
    %lt3A_1000 = arith.cmpi slt, %iota3A, %lt3A_999 : vector<128x128xi32>
    %jit3A_1001 = arith.constant 0.000000e+00 : f32
    %broadcast_in_dim3A_1002 = vector.broadcast %jit3A_1001 : f32 to vector<128x128xf32>
    %select_n3A_1003 = arith.select %lt3A_1000, %slice3A_997, %broadcast_in_dim3A_1002 : vector<128x128xi1>, vector<128x128xf32>
    %ge3A_1004 = arith.constant 64 : i32
    %ge3A_1005 = vector.broadcast %ge3A_1004 : i32 to vector<128x128xi32>
    %ge3A_1006 = arith.cmpi sge, %iota3A, %ge3A_1005 : vector<128x128xi32>
    %jit3A_1007 = arith.constant 0.000000e+00 : f32
    %broadcast_in_dim3A_1008 = vector.broadcast %jit3A_1007 : f32 to vector<128x128xf32>
    %select_n3A_1009 = arith.select %ge3A_1006, %slice3A_997, %broadcast_in_dim3A_1008 : vector<128x128xi1>, vector<128x128xf32>
    %roll3A_1010 = arith.constant 64 : i32
    %roll3A_1011 = tpu.dynamic_rotate %select_n3A_1009 by %roll3A_1010 dim 1 : vector<128x128xf32>, i32 -> vector<128x128xf32>
    %dot_general3A_1012 = arith.constant dense<0.000000e+00> : vector<128x128xf32>
    %dot_general3A_1013 = tpu.matmul %select_n3A_1003, %roll3A_1011, %dot_general3A_1012 {dimension_numbers = #tpu.dot_dimension_numbers<[1], [1], [0], [0], [0, 0, 1, 0], [], []>, transpose_lhs_hint = false} : vector<128x128xf32>, vector<128x128xf32>, vector<128x128xf32> -> vector<128x128xf32>
    %jit3A_1014 = arith.constant -3.400000e+38 : f32
    %broadcast_in_dim3A_1015 = vector.broadcast %jit3A_1014 : f32 to vector<128x128xf32>
    %select_n3A_1016 = arith.select %eq3A, %dot_general3A_1013, %broadcast_in_dim3A_1015 : vector<128x128xi1>, vector<128x128xf32>
    %reduce_max3A_1017 = arith.constant dense<0xFF800000> : vector<128xf32>
    %reduce_max3A_1018 = vector.multi_reduction <maximumf>, %select_n3A_1016, %reduce_max3A_1017 [1] : vector<128x128xf32> to vector<128xf32>
    %broadcast_in_dim3A_1019 = vector.shape_cast %reduce_max3A_1018 : vector<128xf32> to vector<128x1xf32>
    %eq3A_1020 = vector.broadcast %broadcast_in_dim3A_1019 : vector<128x1xf32> to vector<128x128xf32>
    %eq3A_1021 = arith.cmpf oeq, %select_n3A_1016, %eq3A_1020 : vector<128x128xf32>
    %jit3A_1022 = arith.constant 1073741824 : i32
    %broadcast_in_dim3A_1023 = vector.broadcast %jit3A_1022 : i32 to vector<128x128xi32>
    %select_n3A_1024 = arith.select %eq3A_1021, %select_n3A_89, %broadcast_in_dim3A_1023 : vector<128x128xi1>, vector<128x128xi32>
    %reduce_min3A_1025 = arith.constant dense<2147483647> : vector<128xi32>
    %reduce_min3A_1026 = vector.multi_reduction <minsi>, %select_n3A_1024, %reduce_min3A_1025 [1] : vector<128x128xi32> to vector<128xi32>
    %broadcast_in_dim3A_1027 = vector.shape_cast %reduce_min3A_1026 : vector<128xi32> to vector<128x1xi32>
    %eq3A_1028 = vector.broadcast %broadcast_in_dim3A_1027 : vector<128x1xi32> to vector<128x16xi32>
    %eq3A_1029 = arith.cmpi eq, %iota3A_90, %eq3A_1028 : vector<128x16xi32>
    %convert_element_type3A_1030 = arith.extui %eq3A_1029 : vector<128x16xi1> to vector<128x16xi32>
    %convert_element_type3A_1031 = arith.sitofp %convert_element_type3A_1030 : vector<128x16xi32> to vector<128x16xf32>
    %swap3A_1032 = arith.constant 3072 : index
    %swap3A_1033 = arith.constant 0 : index
    %swap3A_1034 = vector.load %arg4[%swap3A_1032, %swap3A_1033] : memref<4096x16xf32, #tpu.memory_space<vmem>>, vector<128x16xf32>
    tpu.vector_store %arg4[%swap3A_1032, %swap3A_1033], %convert_element_type3A_1031 {strides = array<i32>} : memref<4096x16xf32, #tpu.memory_space<vmem>>, vector<128x16xf32>,
    %slice3A_1035 = vector.extract_strided_slice %reshape3A_13 {offsets = [3200, 0], sizes = [128, 128], strides = [1, 1]} : vector<4096x128xf32> to vector<128x128xf32>
    %lt3A_1036 = arith.constant 64 : i32
    %lt3A_1037 = vector.broadcast %lt3A_1036 : i32 to vector<128x128xi32>
    %lt3A_1038 = arith.cmpi slt, %iota3A, %lt3A_1037 : vector<128x128xi32>
    %jit3A_1039 = arith.constant 0.000000e+00 : f32
    %broadcast_in_dim3A_1040 = vector.broadcast %jit3A_1039 : f32 to vector<128x128xf32>
    %select_n3A_1041 = arith.select %lt3A_1038, %slice3A_1035, %broadcast_in_dim3A_1040 : vector<128x128xi1>, vector<128x128xf32>
    %ge3A_1042 = arith.constant 64 : i32
    %ge3A_1043 = vector.broadcast %ge3A_1042 : i32 to vector<128x128xi32>
    %ge3A_1044 = arith.cmpi sge, %iota3A, %ge3A_1043 : vector<128x128xi32>
    %jit3A_1045 = arith.constant 0.000000e+00 : f32
    %broadcast_in_dim3A_1046 = vector.broadcast %jit3A_1045 : f32 to vector<128x128xf32>
    %select_n3A_1047 = arith.select %ge3A_1044, %slice3A_1035, %broadcast_in_dim3A_1046 : vector<128x128xi1>, vector<128x128xf32>
    %roll3A_1048 = arith.constant 64 : i32
    %roll3A_1049 = tpu.dynamic_rotate %select_n3A_1047 by %roll3A_1048 dim 1 : vector<128x128xf32>, i32 -> vector<128x128xf32>
    %dot_general3A_1050 = arith.constant dense<0.000000e+00> : vector<128x128xf32>
    %dot_general3A_1051 = tpu.matmul %select_n3A_1041, %roll3A_1049, %dot_general3A_1050 {dimension_numbers = #tpu.dot_dimension_numbers<[1], [1], [0], [0], [0, 0, 1, 0], [], []>, transpose_lhs_hint = false} : vector<128x128xf32>, vector<128x128xf32>, vector<128x128xf32> -> vector<128x128xf32>
    %jit3A_1052 = arith.constant -3.400000e+38 : f32
    %broadcast_in_dim3A_1053 = vector.broadcast %jit3A_1052 : f32 to vector<128x128xf32>
    %select_n3A_1054 = arith.select %eq3A, %dot_general3A_1051, %broadcast_in_dim3A_1053 : vector<128x128xi1>, vector<128x128xf32>
    %reduce_max3A_1055 = arith.constant dense<0xFF800000> : vector<128xf32>
    %reduce_max3A_1056 = vector.multi_reduction <maximumf>, %select_n3A_1054, %reduce_max3A_1055 [1] : vector<128x128xf32> to vector<128xf32>
    %broadcast_in_dim3A_1057 = vector.shape_cast %reduce_max3A_1056 : vector<128xf32> to vector<128x1xf32>
    %eq3A_1058 = vector.broadcast %broadcast_in_dim3A_1057 : vector<128x1xf32> to vector<128x128xf32>
    %eq3A_1059 = arith.cmpf oeq, %select_n3A_1054, %eq3A_1058 : vector<128x128xf32>
    %jit3A_1060 = arith.constant 1073741824 : i32
    %broadcast_in_dim3A_1061 = vector.broadcast %jit3A_1060 : i32 to vector<128x128xi32>
    %select_n3A_1062 = arith.select %eq3A_1059, %select_n3A_89, %broadcast_in_dim3A_1061 : vector<128x128xi1>, vector<128x128xi32>
    %reduce_min3A_1063 = arith.constant dense<2147483647> : vector<128xi32>
    %reduce_min3A_1064 = vector.multi_reduction <minsi>, %select_n3A_1062, %reduce_min3A_1063 [1] : vector<128x128xi32> to vector<128xi32>
    %broadcast_in_dim3A_1065 = vector.shape_cast %reduce_min3A_1064 : vector<128xi32> to vector<128x1xi32>
    %eq3A_1066 = vector.broadcast %broadcast_in_dim3A_1065 : vector<128x1xi32> to vector<128x16xi32>
    %eq3A_1067 = arith.cmpi eq, %iota3A_90, %eq3A_1066 : vector<128x16xi32>
    %convert_element_type3A_1068 = arith.extui %eq3A_1067 : vector<128x16xi1> to vector<128x16xi32>
    %convert_element_type3A_1069 = arith.sitofp %convert_element_type3A_1068 : vector<128x16xi32> to vector<128x16xf32>
    %swap3A_1070 = arith.constant 3200 : index
    %swap3A_1071 = arith.constant 0 : index
    %swap3A_1072 = vector.load %arg4[%swap3A_1070, %swap3A_1071] : memref<4096x16xf32, #tpu.memory_space<vmem>>, vector<128x16xf32>
    tpu.vector_store %arg4[%swap3A_1070, %swap3A_1071], %convert_element_type3A_1069 {strides = array<i32>} : memref<4096x16xf32, #tpu.memory_space<vmem>>, vector<128x16xf32>,
    %slice3A_1073 = vector.extract_strided_slice %reshape3A_13 {offsets = [3328, 0], sizes = [128, 128], strides = [1, 1]} : vector<4096x128xf32> to vector<128x128xf32>
    %lt3A_1074 = arith.constant 64 : i32
    %lt3A_1075 = vector.broadcast %lt3A_1074 : i32 to vector<128x128xi32>
    %lt3A_1076 = arith.cmpi slt, %iota3A, %lt3A_1075 : vector<128x128xi32>
    %jit3A_1077 = arith.constant 0.000000e+00 : f32
    %broadcast_in_dim3A_1078 = vector.broadcast %jit3A_1077 : f32 to vector<128x128xf32>
    %select_n3A_1079 = arith.select %lt3A_1076, %slice3A_1073, %broadcast_in_dim3A_1078 : vector<128x128xi1>, vector<128x128xf32>
    %ge3A_1080 = arith.constant 64 : i32
    %ge3A_1081 = vector.broadcast %ge3A_1080 : i32 to vector<128x128xi32>
    %ge3A_1082 = arith.cmpi sge, %iota3A, %ge3A_1081 : vector<128x128xi32>
    %jit3A_1083 = arith.constant 0.000000e+00 : f32
    %broadcast_in_dim3A_1084 = vector.broadcast %jit3A_1083 : f32 to vector<128x128xf32>
    %select_n3A_1085 = arith.select %ge3A_1082, %slice3A_1073, %broadcast_in_dim3A_1084 : vector<128x128xi1>, vector<128x128xf32>
    %roll3A_1086 = arith.constant 64 : i32
    %roll3A_1087 = tpu.dynamic_rotate %select_n3A_1085 by %roll3A_1086 dim 1 : vector<128x128xf32>, i32 -> vector<128x128xf32>
    %dot_general3A_1088 = arith.constant dense<0.000000e+00> : vector<128x128xf32>
    %dot_general3A_1089 = tpu.matmul %select_n3A_1079, %roll3A_1087, %dot_general3A_1088 {dimension_numbers = #tpu.dot_dimension_numbers<[1], [1], [0], [0], [0, 0, 1, 0], [], []>, transpose_lhs_hint = false} : vector<128x128xf32>, vector<128x128xf32>, vector<128x128xf32> -> vector<128x128xf32>
    %jit3A_1090 = arith.constant -3.400000e+38 : f32
    %broadcast_in_dim3A_1091 = vector.broadcast %jit3A_1090 : f32 to vector<128x128xf32>
    %select_n3A_1092 = arith.select %eq3A, %dot_general3A_1089, %broadcast_in_dim3A_1091 : vector<128x128xi1>, vector<128x128xf32>
    %reduce_max3A_1093 = arith.constant dense<0xFF800000> : vector<128xf32>
    %reduce_max3A_1094 = vector.multi_reduction <maximumf>, %select_n3A_1092, %reduce_max3A_1093 [1] : vector<128x128xf32> to vector<128xf32>
    %broadcast_in_dim3A_1095 = vector.shape_cast %reduce_max3A_1094 : vector<128xf32> to vector<128x1xf32>
    %eq3A_1096 = vector.broadcast %broadcast_in_dim3A_1095 : vector<128x1xf32> to vector<128x128xf32>
    %eq3A_1097 = arith.cmpf oeq, %select_n3A_1092, %eq3A_1096 : vector<128x128xf32>
    %jit3A_1098 = arith.constant 1073741824 : i32
    %broadcast_in_dim3A_1099 = vector.broadcast %jit3A_1098 : i32 to vector<128x128xi32>
    %select_n3A_1100 = arith.select %eq3A_1097, %select_n3A_89, %broadcast_in_dim3A_1099 : vector<128x128xi1>, vector<128x128xi32>
    %reduce_min3A_1101 = arith.constant dense<2147483647> : vector<128xi32>
    %reduce_min3A_1102 = vector.multi_reduction <minsi>, %select_n3A_1100, %reduce_min3A_1101 [1] : vector<128x128xi32> to vector<128xi32>
    %broadcast_in_dim3A_1103 = vector.shape_cast %reduce_min3A_1102 : vector<128xi32> to vector<128x1xi32>
    %eq3A_1104 = vector.broadcast %broadcast_in_dim3A_1103 : vector<128x1xi32> to vector<128x16xi32>
    %eq3A_1105 = arith.cmpi eq, %iota3A_90, %eq3A_1104 : vector<128x16xi32>
    %convert_element_type3A_1106 = arith.extui %eq3A_1105 : vector<128x16xi1> to vector<128x16xi32>
    %convert_element_type3A_1107 = arith.sitofp %convert_element_type3A_1106 : vector<128x16xi32> to vector<128x16xf32>
    %swap3A_1108 = arith.constant 3328 : index
    %swap3A_1109 = arith.constant 0 : index
    %swap3A_1110 = vector.load %arg4[%swap3A_1108, %swap3A_1109] : memref<4096x16xf32, #tpu.memory_space<vmem>>, vector<128x16xf32>
    tpu.vector_store %arg4[%swap3A_1108, %swap3A_1109], %convert_element_type3A_1107 {strides = array<i32>} : memref<4096x16xf32, #tpu.memory_space<vmem>>, vector<128x16xf32>,
    %slice3A_1111 = vector.extract_strided_slice %reshape3A_13 {offsets = [3456, 0], sizes = [128, 128], strides = [1, 1]} : vector<4096x128xf32> to vector<128x128xf32>
    %lt3A_1112 = arith.constant 64 : i32
    %lt3A_1113 = vector.broadcast %lt3A_1112 : i32 to vector<128x128xi32>
    %lt3A_1114 = arith.cmpi slt, %iota3A, %lt3A_1113 : vector<128x128xi32>
    %jit3A_1115 = arith.constant 0.000000e+00 : f32
    %broadcast_in_dim3A_1116 = vector.broadcast %jit3A_1115 : f32 to vector<128x128xf32>
    %select_n3A_1117 = arith.select %lt3A_1114, %slice3A_1111, %broadcast_in_dim3A_1116 : vector<128x128xi1>, vector<128x128xf32>
    %ge3A_1118 = arith.constant 64 : i32
    %ge3A_1119 = vector.broadcast %ge3A_1118 : i32 to vector<128x128xi32>
    %ge3A_1120 = arith.cmpi sge, %iota3A, %ge3A_1119 : vector<128x128xi32>
    %jit3A_1121 = arith.constant 0.000000e+00 : f32
    %broadcast_in_dim3A_1122 = vector.broadcast %jit3A_1121 : f32 to vector<128x128xf32>
    %select_n3A_1123 = arith.select %ge3A_1120, %slice3A_1111, %broadcast_in_dim3A_1122 : vector<128x128xi1>, vector<128x128xf32>
    %roll3A_1124 = arith.constant 64 : i32
    %roll3A_1125 = tpu.dynamic_rotate %select_n3A_1123 by %roll3A_1124 dim 1 : vector<128x128xf32>, i32 -> vector<128x128xf32>
    %dot_general3A_1126 = arith.constant dense<0.000000e+00> : vector<128x128xf32>
    %dot_general3A_1127 = tpu.matmul %select_n3A_1117, %roll3A_1125, %dot_general3A_1126 {dimension_numbers = #tpu.dot_dimension_numbers<[1], [1], [0], [0], [0, 0, 1, 0], [], []>, transpose_lhs_hint = false} : vector<128x128xf32>, vector<128x128xf32>, vector<128x128xf32> -> vector<128x128xf32>
    %jit3A_1128 = arith.constant -3.400000e+38 : f32
    %broadcast_in_dim3A_1129 = vector.broadcast %jit3A_1128 : f32 to vector<128x128xf32>
    %select_n3A_1130 = arith.select %eq3A, %dot_general3A_1127, %broadcast_in_dim3A_1129 : vector<128x128xi1>, vector<128x128xf32>
    %reduce_max3A_1131 = arith.constant dense<0xFF800000> : vector<128xf32>
    %reduce_max3A_1132 = vector.multi_reduction <maximumf>, %select_n3A_1130, %reduce_max3A_1131 [1] : vector<128x128xf32> to vector<128xf32>
    %broadcast_in_dim3A_1133 = vector.shape_cast %reduce_max3A_1132 : vector<128xf32> to vector<128x1xf32>
    %eq3A_1134 = vector.broadcast %broadcast_in_dim3A_1133 : vector<128x1xf32> to vector<128x128xf32>
    %eq3A_1135 = arith.cmpf oeq, %select_n3A_1130, %eq3A_1134 : vector<128x128xf32>
    %jit3A_1136 = arith.constant 1073741824 : i32
    %broadcast_in_dim3A_1137 = vector.broadcast %jit3A_1136 : i32 to vector<128x128xi32>
    %select_n3A_1138 = arith.select %eq3A_1135, %select_n3A_89, %broadcast_in_dim3A_1137 : vector<128x128xi1>, vector<128x128xi32>
    %reduce_min3A_1139 = arith.constant dense<2147483647> : vector<128xi32>
    %reduce_min3A_1140 = vector.multi_reduction <minsi>, %select_n3A_1138, %reduce_min3A_1139 [1] : vector<128x128xi32> to vector<128xi32>
    %broadcast_in_dim3A_1141 = vector.shape_cast %reduce_min3A_1140 : vector<128xi32> to vector<128x1xi32>
    %eq3A_1142 = vector.broadcast %broadcast_in_dim3A_1141 : vector<128x1xi32> to vector<128x16xi32>
    %eq3A_1143 = arith.cmpi eq, %iota3A_90, %eq3A_1142 : vector<128x16xi32>
    %convert_element_type3A_1144 = arith.extui %eq3A_1143 : vector<128x16xi1> to vector<128x16xi32>
    %convert_element_type3A_1145 = arith.sitofp %convert_element_type3A_1144 : vector<128x16xi32> to vector<128x16xf32>
    %swap3A_1146 = arith.constant 3456 : index
    %swap3A_1147 = arith.constant 0 : index
    %swap3A_1148 = vector.load %arg4[%swap3A_1146, %swap3A_1147] : memref<4096x16xf32, #tpu.memory_space<vmem>>, vector<128x16xf32>
    tpu.vector_store %arg4[%swap3A_1146, %swap3A_1147], %convert_element_type3A_1145 {strides = array<i32>} : memref<4096x16xf32, #tpu.memory_space<vmem>>, vector<128x16xf32>,
    %slice3A_1149 = vector.extract_strided_slice %reshape3A_13 {offsets = [3584, 0], sizes = [128, 128], strides = [1, 1]} : vector<4096x128xf32> to vector<128x128xf32>
    %lt3A_1150 = arith.constant 64 : i32
    %lt3A_1151 = vector.broadcast %lt3A_1150 : i32 to vector<128x128xi32>
    %lt3A_1152 = arith.cmpi slt, %iota3A, %lt3A_1151 : vector<128x128xi32>
    %jit3A_1153 = arith.constant 0.000000e+00 : f32
    %broadcast_in_dim3A_1154 = vector.broadcast %jit3A_1153 : f32 to vector<128x128xf32>
    %select_n3A_1155 = arith.select %lt3A_1152, %slice3A_1149, %broadcast_in_dim3A_1154 : vector<128x128xi1>, vector<128x128xf32>
    %ge3A_1156 = arith.constant 64 : i32
    %ge3A_1157 = vector.broadcast %ge3A_1156 : i32 to vector<128x128xi32>
    %ge3A_1158 = arith.cmpi sge, %iota3A, %ge3A_1157 : vector<128x128xi32>
    %jit3A_1159 = arith.constant 0.000000e+00 : f32
    %broadcast_in_dim3A_1160 = vector.broadcast %jit3A_1159 : f32 to vector<128x128xf32>
    %select_n3A_1161 = arith.select %ge3A_1158, %slice3A_1149, %broadcast_in_dim3A_1160 : vector<128x128xi1>, vector<128x128xf32>
    %roll3A_1162 = arith.constant 64 : i32
    %roll3A_1163 = tpu.dynamic_rotate %select_n3A_1161 by %roll3A_1162 dim 1 : vector<128x128xf32>, i32 -> vector<128x128xf32>
    %dot_general3A_1164 = arith.constant dense<0.000000e+00> : vector<128x128xf32>
    %dot_general3A_1165 = tpu.matmul %select_n3A_1155, %roll3A_1163, %dot_general3A_1164 {dimension_numbers = #tpu.dot_dimension_numbers<[1], [1], [0], [0], [0, 0, 1, 0], [], []>, transpose_lhs_hint = false} : vector<128x128xf32>, vector<128x128xf32>, vector<128x128xf32> -> vector<128x128xf32>
    %jit3A_1166 = arith.constant -3.400000e+38 : f32
    %broadcast_in_dim3A_1167 = vector.broadcast %jit3A_1166 : f32 to vector<128x128xf32>
    %select_n3A_1168 = arith.select %eq3A, %dot_general3A_1165, %broadcast_in_dim3A_1167 : vector<128x128xi1>, vector<128x128xf32>
    %reduce_max3A_1169 = arith.constant dense<0xFF800000> : vector<128xf32>
    %reduce_max3A_1170 = vector.multi_reduction <maximumf>, %select_n3A_1168, %reduce_max3A_1169 [1] : vector<128x128xf32> to vector<128xf32>
    %broadcast_in_dim3A_1171 = vector.shape_cast %reduce_max3A_1170 : vector<128xf32> to vector<128x1xf32>
    %eq3A_1172 = vector.broadcast %broadcast_in_dim3A_1171 : vector<128x1xf32> to vector<128x128xf32>
    %eq3A_1173 = arith.cmpf oeq, %select_n3A_1168, %eq3A_1172 : vector<128x128xf32>
    %jit3A_1174 = arith.constant 1073741824 : i32
    %broadcast_in_dim3A_1175 = vector.broadcast %jit3A_1174 : i32 to vector<128x128xi32>
    %select_n3A_1176 = arith.select %eq3A_1173, %select_n3A_89, %broadcast_in_dim3A_1175 : vector<128x128xi1>, vector<128x128xi32>
    %reduce_min3A_1177 = arith.constant dense<2147483647> : vector<128xi32>
    %reduce_min3A_1178 = vector.multi_reduction <minsi>, %select_n3A_1176, %reduce_min3A_1177 [1] : vector<128x128xi32> to vector<128xi32>
    %broadcast_in_dim3A_1179 = vector.shape_cast %reduce_min3A_1178 : vector<128xi32> to vector<128x1xi32>
    %eq3A_1180 = vector.broadcast %broadcast_in_dim3A_1179 : vector<128x1xi32> to vector<128x16xi32>
    %eq3A_1181 = arith.cmpi eq, %iota3A_90, %eq3A_1180 : vector<128x16xi32>
    %convert_element_type3A_1182 = arith.extui %eq3A_1181 : vector<128x16xi1> to vector<128x16xi32>
    %convert_element_type3A_1183 = arith.sitofp %convert_element_type3A_1182 : vector<128x16xi32> to vector<128x16xf32>
    %swap3A_1184 = arith.constant 3584 : index
    %swap3A_1185 = arith.constant 0 : index
    %swap3A_1186 = vector.load %arg4[%swap3A_1184, %swap3A_1185] : memref<4096x16xf32, #tpu.memory_space<vmem>>, vector<128x16xf32>
    tpu.vector_store %arg4[%swap3A_1184, %swap3A_1185], %convert_element_type3A_1183 {strides = array<i32>} : memref<4096x16xf32, #tpu.memory_space<vmem>>, vector<128x16xf32>,
    %slice3A_1187 = vector.extract_strided_slice %reshape3A_13 {offsets = [3712, 0], sizes = [128, 128], strides = [1, 1]} : vector<4096x128xf32> to vector<128x128xf32>
    %lt3A_1188 = arith.constant 64 : i32
    %lt3A_1189 = vector.broadcast %lt3A_1188 : i32 to vector<128x128xi32>
    %lt3A_1190 = arith.cmpi slt, %iota3A, %lt3A_1189 : vector<128x128xi32>
    %jit3A_1191 = arith.constant 0.000000e+00 : f32
    %broadcast_in_dim3A_1192 = vector.broadcast %jit3A_1191 : f32 to vector<128x128xf32>
    %select_n3A_1193 = arith.select %lt3A_1190, %slice3A_1187, %broadcast_in_dim3A_1192 : vector<128x128xi1>, vector<128x128xf32>
    %ge3A_1194 = arith.constant 64 : i32
    %ge3A_1195 = vector.broadcast %ge3A_1194 : i32 to vector<128x128xi32>
    %ge3A_1196 = arith.cmpi sge, %iota3A, %ge3A_1195 : vector<128x128xi32>
    %jit3A_1197 = arith.constant 0.000000e+00 : f32
    %broadcast_in_dim3A_1198 = vector.broadcast %jit3A_1197 : f32 to vector<128x128xf32>
    %select_n3A_1199 = arith.select %ge3A_1196, %slice3A_1187, %broadcast_in_dim3A_1198 : vector<128x128xi1>, vector<128x128xf32>
    %roll3A_1200 = arith.constant 64 : i32
    %roll3A_1201 = tpu.dynamic_rotate %select_n3A_1199 by %roll3A_1200 dim 1 : vector<128x128xf32>, i32 -> vector<128x128xf32>
    %dot_general3A_1202 = arith.constant dense<0.000000e+00> : vector<128x128xf32>
    %dot_general3A_1203 = tpu.matmul %select_n3A_1193, %roll3A_1201, %dot_general3A_1202 {dimension_numbers = #tpu.dot_dimension_numbers<[1], [1], [0], [0], [0, 0, 1, 0], [], []>, transpose_lhs_hint = false} : vector<128x128xf32>, vector<128x128xf32>, vector<128x128xf32> -> vector<128x128xf32>
    %jit3A_1204 = arith.constant -3.400000e+38 : f32
    %broadcast_in_dim3A_1205 = vector.broadcast %jit3A_1204 : f32 to vector<128x128xf32>
    %select_n3A_1206 = arith.select %eq3A, %dot_general3A_1203, %broadcast_in_dim3A_1205 : vector<128x128xi1>, vector<128x128xf32>
    %reduce_max3A_1207 = arith.constant dense<0xFF800000> : vector<128xf32>
    %reduce_max3A_1208 = vector.multi_reduction <maximumf>, %select_n3A_1206, %reduce_max3A_1207 [1] : vector<128x128xf32> to vector<128xf32>
    %broadcast_in_dim3A_1209 = vector.shape_cast %reduce_max3A_1208 : vector<128xf32> to vector<128x1xf32>
    %eq3A_1210 = vector.broadcast %broadcast_in_dim3A_1209 : vector<128x1xf32> to vector<128x128xf32>
    %eq3A_1211 = arith.cmpf oeq, %select_n3A_1206, %eq3A_1210 : vector<128x128xf32>
    %jit3A_1212 = arith.constant 1073741824 : i32
    %broadcast_in_dim3A_1213 = vector.broadcast %jit3A_1212 : i32 to vector<128x128xi32>
    %select_n3A_1214 = arith.select %eq3A_1211, %select_n3A_89, %broadcast_in_dim3A_1213 : vector<128x128xi1>, vector<128x128xi32>
    %reduce_min3A_1215 = arith.constant dense<2147483647> : vector<128xi32>
    %reduce_min3A_1216 = vector.multi_reduction <minsi>, %select_n3A_1214, %reduce_min3A_1215 [1] : vector<128x128xi32> to vector<128xi32>
    %broadcast_in_dim3A_1217 = vector.shape_cast %reduce_min3A_1216 : vector<128xi32> to vector<128x1xi32>
    %eq3A_1218 = vector.broadcast %broadcast_in_dim3A_1217 : vector<128x1xi32> to vector<128x16xi32>
    %eq3A_1219 = arith.cmpi eq, %iota3A_90, %eq3A_1218 : vector<128x16xi32>
    %convert_element_type3A_1220 = arith.extui %eq3A_1219 : vector<128x16xi1> to vector<128x16xi32>
    %convert_element_type3A_1221 = arith.sitofp %convert_element_type3A_1220 : vector<128x16xi32> to vector<128x16xf32>
    %swap3A_1222 = arith.constant 3712 : index
    %swap3A_1223 = arith.constant 0 : index
    %swap3A_1224 = vector.load %arg4[%swap3A_1222, %swap3A_1223] : memref<4096x16xf32, #tpu.memory_space<vmem>>, vector<128x16xf32>
    tpu.vector_store %arg4[%swap3A_1222, %swap3A_1223], %convert_element_type3A_1221 {strides = array<i32>} : memref<4096x16xf32, #tpu.memory_space<vmem>>, vector<128x16xf32>,
    %slice3A_1225 = vector.extract_strided_slice %reshape3A_13 {offsets = [3840, 0], sizes = [128, 128], strides = [1, 1]} : vector<4096x128xf32> to vector<128x128xf32>
    %lt3A_1226 = arith.constant 64 : i32
    %lt3A_1227 = vector.broadcast %lt3A_1226 : i32 to vector<128x128xi32>
    %lt3A_1228 = arith.cmpi slt, %iota3A, %lt3A_1227 : vector<128x128xi32>
    %jit3A_1229 = arith.constant 0.000000e+00 : f32
    %broadcast_in_dim3A_1230 = vector.broadcast %jit3A_1229 : f32 to vector<128x128xf32>
    %select_n3A_1231 = arith.select %lt3A_1228, %slice3A_1225, %broadcast_in_dim3A_1230 : vector<128x128xi1>, vector<128x128xf32>
    %ge3A_1232 = arith.constant 64 : i32
    %ge3A_1233 = vector.broadcast %ge3A_1232 : i32 to vector<128x128xi32>
    %ge3A_1234 = arith.cmpi sge, %iota3A, %ge3A_1233 : vector<128x128xi32>
    %jit3A_1235 = arith.constant 0.000000e+00 : f32
    %broadcast_in_dim3A_1236 = vector.broadcast %jit3A_1235 : f32 to vector<128x128xf32>
    %select_n3A_1237 = arith.select %ge3A_1234, %slice3A_1225, %broadcast_in_dim3A_1236 : vector<128x128xi1>, vector<128x128xf32>
    %roll3A_1238 = arith.constant 64 : i32
    %roll3A_1239 = tpu.dynamic_rotate %select_n3A_1237 by %roll3A_1238 dim 1 : vector<128x128xf32>, i32 -> vector<128x128xf32>
    %dot_general3A_1240 = arith.constant dense<0.000000e+00> : vector<128x128xf32>
    %dot_general3A_1241 = tpu.matmul %select_n3A_1231, %roll3A_1239, %dot_general3A_1240 {dimension_numbers = #tpu.dot_dimension_numbers<[1], [1], [0], [0], [0, 0, 1, 0], [], []>, transpose_lhs_hint = false} : vector<128x128xf32>, vector<128x128xf32>, vector<128x128xf32> -> vector<128x128xf32>
    %jit3A_1242 = arith.constant -3.400000e+38 : f32
    %broadcast_in_dim3A_1243 = vector.broadcast %jit3A_1242 : f32 to vector<128x128xf32>
    %select_n3A_1244 = arith.select %eq3A, %dot_general3A_1241, %broadcast_in_dim3A_1243 : vector<128x128xi1>, vector<128x128xf32>
    %reduce_max3A_1245 = arith.constant dense<0xFF800000> : vector<128xf32>
    %reduce_max3A_1246 = vector.multi_reduction <maximumf>, %select_n3A_1244, %reduce_max3A_1245 [1] : vector<128x128xf32> to vector<128xf32>
    %broadcast_in_dim3A_1247 = vector.shape_cast %reduce_max3A_1246 : vector<128xf32> to vector<128x1xf32>
    %eq3A_1248 = vector.broadcast %broadcast_in_dim3A_1247 : vector<128x1xf32> to vector<128x128xf32>
    %eq3A_1249 = arith.cmpf oeq, %select_n3A_1244, %eq3A_1248 : vector<128x128xf32>
    %jit3A_1250 = arith.constant 1073741824 : i32
    %broadcast_in_dim3A_1251 = vector.broadcast %jit3A_1250 : i32 to vector<128x128xi32>
    %select_n3A_1252 = arith.select %eq3A_1249, %select_n3A_89, %broadcast_in_dim3A_1251 : vector<128x128xi1>, vector<128x128xi32>
    %reduce_min3A_1253 = arith.constant dense<2147483647> : vector<128xi32>
    %reduce_min3A_1254 = vector.multi_reduction <minsi>, %select_n3A_1252, %reduce_min3A_1253 [1] : vector<128x128xi32> to vector<128xi32>
    %broadcast_in_dim3A_1255 = vector.shape_cast %reduce_min3A_1254 : vector<128xi32> to vector<128x1xi32>
    %eq3A_1256 = vector.broadcast %broadcast_in_dim3A_1255 : vector<128x1xi32> to vector<128x16xi32>
    %eq3A_1257 = arith.cmpi eq, %iota3A_90, %eq3A_1256 : vector<128x16xi32>
    %convert_element_type3A_1258 = arith.extui %eq3A_1257 : vector<128x16xi1> to vector<128x16xi32>
    %convert_element_type3A_1259 = arith.sitofp %convert_element_type3A_1258 : vector<128x16xi32> to vector<128x16xf32>
    %swap3A_1260 = arith.constant 3840 : index
    %swap3A_1261 = arith.constant 0 : index
    %swap3A_1262 = vector.load %arg4[%swap3A_1260, %swap3A_1261] : memref<4096x16xf32, #tpu.memory_space<vmem>>, vector<128x16xf32>
    tpu.vector_store %arg4[%swap3A_1260, %swap3A_1261], %convert_element_type3A_1259 {strides = array<i32>} : memref<4096x16xf32, #tpu.memory_space<vmem>>, vector<128x16xf32>,
    %slice3A_1263 = vector.extract_strided_slice %reshape3A_13 {offsets = [3968, 0], sizes = [128, 128], strides = [1, 1]} : vector<4096x128xf32> to vector<128x128xf32>
    %lt3A_1264 = arith.constant 64 : i32
    %lt3A_1265 = vector.broadcast %lt3A_1264 : i32 to vector<128x128xi32>
    %lt3A_1266 = arith.cmpi slt, %iota3A, %lt3A_1265 : vector<128x128xi32>
    %jit3A_1267 = arith.constant 0.000000e+00 : f32
    %broadcast_in_dim3A_1268 = vector.broadcast %jit3A_1267 : f32 to vector<128x128xf32>
    %select_n3A_1269 = arith.select %lt3A_1266, %slice3A_1263, %broadcast_in_dim3A_1268 : vector<128x128xi1>, vector<128x128xf32>
    %ge3A_1270 = arith.constant 64 : i32
    %ge3A_1271 = vector.broadcast %ge3A_1270 : i32 to vector<128x128xi32>
    %ge3A_1272 = arith.cmpi sge, %iota3A, %ge3A_1271 : vector<128x128xi32>
    %jit3A_1273 = arith.constant 0.000000e+00 : f32
    %broadcast_in_dim3A_1274 = vector.broadcast %jit3A_1273 : f32 to vector<128x128xf32>
    %select_n3A_1275 = arith.select %ge3A_1272, %slice3A_1263, %broadcast_in_dim3A_1274 : vector<128x128xi1>, vector<128x128xf32>
    %roll3A_1276 = arith.constant 64 : i32
    %roll3A_1277 = tpu.dynamic_rotate %select_n3A_1275 by %roll3A_1276 dim 1 : vector<128x128xf32>, i32 -> vector<128x128xf32>
    %dot_general3A_1278 = arith.constant dense<0.000000e+00> : vector<128x128xf32>
    %dot_general3A_1279 = tpu.matmul %select_n3A_1269, %roll3A_1277, %dot_general3A_1278 {dimension_numbers = #tpu.dot_dimension_numbers<[1], [1], [0], [0], [0, 0, 1, 0], [], []>, transpose_lhs_hint = false} : vector<128x128xf32>, vector<128x128xf32>, vector<128x128xf32> -> vector<128x128xf32>
    %jit3A_1280 = arith.constant -3.400000e+38 : f32
    %broadcast_in_dim3A_1281 = vector.broadcast %jit3A_1280 : f32 to vector<128x128xf32>
    %select_n3A_1282 = arith.select %eq3A, %dot_general3A_1279, %broadcast_in_dim3A_1281 : vector<128x128xi1>, vector<128x128xf32>
    %reduce_max3A_1283 = arith.constant dense<0xFF800000> : vector<128xf32>
    %reduce_max3A_1284 = vector.multi_reduction <maximumf>, %select_n3A_1282, %reduce_max3A_1283 [1] : vector<128x128xf32> to vector<128xf32>
    %broadcast_in_dim3A_1285 = vector.shape_cast %reduce_max3A_1284 : vector<128xf32> to vector<128x1xf32>
    %eq3A_1286 = vector.broadcast %broadcast_in_dim3A_1285 : vector<128x1xf32> to vector<128x128xf32>
    %eq3A_1287 = arith.cmpf oeq, %select_n3A_1282, %eq3A_1286 : vector<128x128xf32>
    %jit3A_1288 = arith.constant 1073741824 : i32
    %broadcast_in_dim3A_1289 = vector.broadcast %jit3A_1288 : i32 to vector<128x128xi32>
    %select_n3A_1290 = arith.select %eq3A_1287, %select_n3A_89, %broadcast_in_dim3A_1289 : vector<128x128xi1>, vector<128x128xi32>
    %reduce_min3A_1291 = arith.constant dense<2147483647> : vector<128xi32>
    %reduce_min3A_1292 = vector.multi_reduction <minsi>, %select_n3A_1290, %reduce_min3A_1291 [1] : vector<128x128xi32> to vector<128xi32>
    %broadcast_in_dim3A_1293 = vector.shape_cast %reduce_min3A_1292 : vector<128xi32> to vector<128x1xi32>
    %eq3A_1294 = vector.broadcast %broadcast_in_dim3A_1293 : vector<128x1xi32> to vector<128x16xi32>
    %eq3A_1295 = arith.cmpi eq, %iota3A_90, %eq3A_1294 : vector<128x16xi32>
    %convert_element_type3A_1296 = arith.extui %eq3A_1295 : vector<128x16xi1> to vector<128x16xi32>
    %convert_element_type3A_1297 = arith.sitofp %convert_element_type3A_1296 : vector<128x16xi32> to vector<128x16xf32>
    %swap3A_1298 = arith.constant 3968 : index
    %swap3A_1299 = arith.constant 0 : index
    %swap3A_1300 = vector.load %arg4[%swap3A_1298, %swap3A_1299] : memref<4096x16xf32, #tpu.memory_space<vmem>>, vector<128x16xf32>
    tpu.vector_store %arg4[%swap3A_1298, %swap3A_1299], %convert_element_type3A_1297 {strides = array<i32>} : memref<4096x16xf32, #tpu.memory_space<vmem>>, vector<128x16xf32>,
    return
  }
  func.func @transform_0(%arg0: i32) -> (i32, i32) {
    %c0_i32 = arith.constant 0 : i32
    %c0_i32_0 = arith.constant 0 : i32
    return %arg0, %c0_i32 : i32, i32
  }
  func.func @transform_1(%arg0: i32) -> (i32, i32) {
    %c0_i32 = arith.constant 0 : i32
    %c0_i32_0 = arith.constant 0 : i32
    %c0_i32_1 = arith.constant 0 : i32
    return %c0_i32, %c0_i32_0 : i32, i32
  }
  func.func @transform_2(%arg0: i32) -> (i32, i32) {
    %c0_i32 = arith.constant 0 : i32
    %c0_i32_0 = arith.constant 0 : i32
    %c0_i32_1 = arith.constant 0 : i32
    return %c0_i32, %c0_i32_0 : i32, i32
  }
  func.func @transform_3(%arg0: i32) -> (i32, i32) {
    %c0_i32 = arith.constant 0 : i32
    %c0_i32_0 = arith.constant 0 : i32
    return %arg0, %c0_i32 : i32, i32
  }
  func.func @transform_4(%arg0: i32) -> (i32, i32) {
    %c0_i32 = arith.constant 0 : i32
    %c0_i32_0 = arith.constant 0 : i32
    return %arg0, %c0_i32 : i32, i32
  }
}

module attributes {stable_mosaic.version = 14 : i64} {
  func.func @_topk_kernel(%arg0: i32, %arg1: memref<8x2048xf32, #tpu.memory_space<vmem>>, %arg2: memref<8x256xi32, #tpu.memory_space<vmem>>) attributes {dimension_semantics = [#tpu.dimension_semantics<arbitrary>], iteration_bounds = array<i64: 1>, scalar_prefetch = 0 : i64, scratch_operands = 0 : i64, tpu.core_type = #tpu.core_type<tc>, window_params = [{pipeline_mode = #tpu.pipeline_mode<synchronous>, transform_indices = @transform_0, window_bounds = array<i64: 8, 2048>}, {pipeline_mode = #tpu.pipeline_mode<synchronous>, transform_indices = @transform_1, window_bounds = array<i64: 8, 256>}]} {
    %get3A = arith.constant 0 : index
    %get3A_0 = arith.constant 0 : index
    %get3A_1 = vector.load %arg1[%get3A, %get3A_0] : memref<8x2048xf32, #tpu.memory_space<vmem>>, vector<8x2048xf32>
    %iota3A = tpu.iota {dimensions = array<i32: 1>} : vector<8x2048xi32>
    %iota3A_2 = tpu.iota {dimensions = array<i32: 1>} : vector<8x256xi32>
    %broadcast_in_dim3A = arith.constant 0 : i32
    %broadcast_in_dim3A_3 = vector.broadcast %broadcast_in_dim3A : i32 to vector<8x256xi32>
    %scan3A = arith.constant 0 : i32
    %scan3A_4 = arith.constant 204 : i32
    %scan3A_5 = arith.addi %scan3A, %scan3A_4 : i32
    %scan3A_6 = arith.constant 1 : i32
    %scan3A_7:2 = scf.for %scan3A_11 = %scan3A to %scan3A_5 step %scan3A_6 iter_args(%scan3A_12 = %get3A_1, %scan3A_13 = %broadcast_in_dim3A_3) -> (vector<8x2048xf32>, vector<8x256xi32>)  : i32 {
      %reduce_max3A = arith.constant dense<0xFF800000> : vector<8xf32>
      %reduce_max3A_14 = vector.multi_reduction <maximumf>, %scan3A_12, %reduce_max3A [1] : vector<8x2048xf32> to vector<8xf32>
      %broadcast_in_dim3A_15 = vector.shape_cast %reduce_max3A_14 : vector<8xf32> to vector<8x1xf32>
      %eq3A = vector.broadcast %broadcast_in_dim3A_15 : vector<8x1xf32> to vector<8x2048xf32>
      %eq3A_16 = arith.cmpf oeq, %scan3A_12, %eq3A : vector<8x2048xf32>
      %jit3A = arith.constant 1073741824 : i32
      %broadcast_in_dim3A_17 = vector.broadcast %jit3A : i32 to vector<8x2048xi32>
      %select_n3A = arith.select %eq3A_16, %iota3A, %broadcast_in_dim3A_17 : vector<8x2048xi1>, vector<8x2048xi32>
      %reduce_min3A = arith.constant dense<2147483647> : vector<8xi32>
      %reduce_min3A_18 = vector.multi_reduction <minsi>, %select_n3A, %reduce_min3A [1] : vector<8x2048xi32> to vector<8xi32>
      %broadcast_in_dim3A_19 = vector.shape_cast %reduce_min3A_18 : vector<8xi32> to vector<8x1xi32>
      %eq3A_20 = vector.broadcast %scan3A_11 : i32 to vector<8x256xi32>
      %eq3A_21 = arith.cmpi eq, %iota3A_2, %eq3A_20 : vector<8x256xi32>
      %broadcast_in_dim3A_22 = vector.shape_cast %broadcast_in_dim3A_19 : vector<8x1xi32> to vector<8x1xi32>
      %broadcast_in_dim3A_23 = vector.broadcast %broadcast_in_dim3A_22 : vector<8x1xi32> to vector<8x256xi32>
      %select_n3A_24 = arith.select %eq3A_21, %broadcast_in_dim3A_23, %scan3A_13 : vector<8x256xi1>, vector<8x256xi32>
      %eq3A_25 = vector.broadcast %broadcast_in_dim3A_19 : vector<8x1xi32> to vector<8x2048xi32>
      %eq3A_26 = arith.cmpi eq, %iota3A, %eq3A_25 : vector<8x2048xi32>
      %jit3A_27 = arith.constant -3.400000e+38 : f32
      %broadcast_in_dim3A_28 = vector.broadcast %jit3A_27 : f32 to vector<8x2048xf32>
      %select_n3A_29 = arith.select %eq3A_26, %broadcast_in_dim3A_28, %scan3A_12 : vector<8x2048xi1>, vector<8x2048xf32>
      scf.yield %select_n3A_29, %select_n3A_24 : vector<8x2048xf32>, vector<8x256xi32>
    }
    %scan3A_8 = arith.constant 204 : i32
    %swap3A = arith.constant 0 : index
    %swap3A_9 = arith.constant 0 : index
    %swap3A_10 = vector.load %arg2[%swap3A, %swap3A_9] : memref<8x256xi32, #tpu.memory_space<vmem>>, vector<8x256xi32>
    tpu.vector_store %arg2[%swap3A, %swap3A_9], %scan3A_7#1 {strides = array<i32>} : memref<8x256xi32, #tpu.memory_space<vmem>>, vector<8x256xi32>,
    return
  }
  func.func @transform_0(%arg0: i32) -> (i32, i32) {
    %c0_i32 = arith.constant 0 : i32
    %c0_i32_0 = arith.constant 0 : i32
    %c0_i32_1 = arith.constant 0 : i32
    return %c0_i32, %c0_i32_0 : i32, i32
  }
  func.func @transform_1(%arg0: i32) -> (i32, i32) {
    %c0_i32 = arith.constant 0 : i32
    %c0_i32_0 = arith.constant 0 : i32
    %c0_i32_1 = arith.constant 0 : i32
    return %c0_i32, %c0_i32_0 : i32, i32
  }
}

</mosaic_0001>

<sc_bundles>
// kernel: kernel.5.cloned.1.call-start
scs
__scs_entry_jumppad:
0x0: {  	(pc) =	sbr.rel $0x88, $3  }
0x1: {  	(tag) =	ssettag $0x0;
	lr =	simm.s32 $0x1  }
0x2: {  	[smem:$0x3F9E] =	sst lr;
	_ =	strace $0xD0000000  }
0x3: {  	_ = 	snop  }
0x4: {  	_ = 	snop  }
0x5: {  	_ = 	snop  }
0x6: {  	_ = 	snop  }
0x7: {  	_ = 	snop  }
__scs_overlays_trampoline_lowered:
0x8: {  	[smem:$0x3FAD] =	sst s0  }
0x9: {  	[smem:$0x3FAE] =	sst s1  }
0xa: {  	[smem:$0x3FAF] =	sst s2  }
0xb: {  	[smem:$0x3FB0] =	sst s3  }
0xc: {  	[smem:$0x3FB1] =	sst s4  }
0xd: {  	[smem:$0x3FB2] =	sst s5  }
0xe: {  	[smem:$0x3FB3] =	sst s6  }
0xf: {  	[smem:$0x3FB4] =	sst s7  }
0x10: {  	[smem:$0x3FB5] =	sst s8  }
0x11: {  	[smem:$0x3FB6] =	sst s9;
	s0 =	simm.s32 @!p0 $0x0  }
0x12: {  	s1 =	sld [smem:$0x3F9C];
	s0 =	simm.s32 @p0 $0x1  }
0x13: {  	[smem:$0x3FB7] =	sst s0;
	s0 =	simm.s32 @!p1 $0x0  }
0x14: {  	s2 =	sld [smem:$0x3F9B];
	s0 =	simm.s32 @p1 $0x1  }
0x15: {  	[smem:$0x3FB8] =	sst s0;
	s0 =	simm.s32 @!p2 $0x0  }
0x16: {  	s3 =	sld [smem:$0x3FDB];
	s0 =	simm.s32 @p2 $0x1  }
0x17: {  	s4 =	simm.s32 $0x1BF5;
	[smem:$0x3FBA] =	sst s0  }
0x18: {  	s0 =	sld [smem:$0x3F9D];
	_ =	swait.ge [sflag:s4], $0x0  }
0x19: {  	s7 =	sld [smem:$0x3F9E]  }
0x1a: {  	s8 =	sadd.s32 $0xFFFFE003, lr  }
0x1b: {  	s9 =	sadd.s32 $0xFFFFFEF7, lr;
	s5 =	simm.s32 $0xFFFFFFFF;
	p2 =	slt.u32 s8, $0xFFFFF086  }
0x1c: {  	p1 =	slt.u32 s9, $0xF7A;
	s5 =	simm.s32 @!p2 $0x0  }
0x1d: {  	s5 =	simm.s32 @p1 $0x1;
	p0 =	seq.s32 s7, s2  }
0x1e: {  	s7 =	smul.u32 @!p0 $0xF7A, s2;
	p2 =	seq.s32 @!p0 s5, $0x0  }
0x1f: {  	s9 =	smul.u32 $0xF7A, s1;
	s8 =	simm.s32 @!p0 $0x1BF5;
	p2 =	por !p2, p0  }
0x20: {  	[sflag:s8] =	ssyncset.s32 @!p0 $0xFFFFF086;
	s6 =	sadd.s32 @!p0 s3, s7;
	s7 =	simm.s32 @!p0 $0x108  }
0x21: {  	s3 =	sadd.s32 s3, s9;
	s6 =	sadd.s32 @!p0 $0x88, s6;
	s7 =	simm.s32 @p2 $0x1082  }
0x22: {  	[simem:s7], [sflag:s8] =	dma.local @!p0 [hbm:s6], $0xF7A  }
0x23: {  	s9 =	sor.u32 $0xD0000000, s2;
	s6 =	simm.s32 $0x108;
	_ =	swait.ge @!p0 [sflag:s8], $0x0  }
0x24: {  	s3 =	sadd.s32 $0x88, s3;
	s6 =	simm.s32 @!p1 $0x1082;
	[sflag:s4] =	ssyncset.s32 $0xFFFFF086  }
0x25: {  	[simem:s6], [sflag:s4] =	dma.local [hbm:s3], $0xF7A  }
0x26: {  	[smem:$0x3F9E] =	sst s1;
	(tag) =	ssettag s2;
	_ =	strace s9  }
0x27: {  	s1 =	sld [smem:$0x3FAE]  }
0x28: {  	s2 =	sld [smem:$0x3FAF]  }
0x29: {  	s4 =	sld [smem:$0x3FB1]  }
0x2a: {  	p0 =	seq.s32 s5, $0x0;
	s5 =	sld [smem:$0x3FB2]  }
0x2b: {  	s6 =	sld [smem:$0x3FB3]  }
0x2c: {  	s7 =	sld [smem:$0x3FB4]  }
0x2d: {  	s3 =	simm.s32 $0x108;
	s8 =	sld [smem:$0x3FB5]  }
0x2e: {  	s3 =	simm.s32 @!p0 $0x1082;
	s9 =	sld [smem:$0x3FB6]  }
0x2f: {  	lr =	sadd.s32 s0, s3;
	s0 =	sld [smem:$0x3FAD]  }
0x30: {  	s3 =	sld [smem:$0x3FB0]  }
0x31: {  	[smem:$0x3FB9] =	sst s10  }
0x32: {  	s10 =	sld [smem:$0x3FB7];
	_ =	sdelay $0x3  }
0x33: {  	p0 =	seq.s32 s10, $0x1;
	s10 =	sld [smem:$0x3FB9];
	_ =	sdelay $0x3  }
0x34: {  	[smem:$0x3FB9] =	sst s10  }
0x35: {  	s10 =	sld [smem:$0x3FB8];
	_ =	sdelay $0x3  }
0x36: {  	p1 =	seq.s32 s10, $0x1;
	s10 =	sld [smem:$0x3FB9];
	_ =	sdelay $0x3  }
0x37: {  	[smem:$0x3FB9] =	sst s10  }
0x38: {  	s10 =	sld [smem:$0x3FBA]  }
0x39: {  	_ = 	snop;
	(pc) =	sbr.ind lr, $3  }
0x3a: {  	_ = 	snop  }
0x3b: {  	_ = 	snop  }
0x3c: {  	p2 =	seq.s32 s10, $0x1;
	s10 =	sld [smem:$0x3FB9]  }
0x3d: {  	_ =	shalt  }
0x3e: {  	_ =	shalt  }
0x3f: {  	_ =	shalt  }
0x40: {  	_ =	shalt  }
0x41: {  	_ =	shalt  }
0x42: {  	_ =	shalt  }
0x43: {  	_ =	shalt  }
0x44: {  	_ =	shalt  }
0x45: {  	_ =	shalt  }
0x46: {  	_ =	shalt  }
0x47: {  	_ =	shalt  }
0x48: {  	_ =	shalt  }
0x49: {  	_ =	shalt  }
0x4a: {  	_ =	shalt  }
0x4b: {  	_ =	shalt  }
0x4c: {  	_ =	shalt  }
0x4d: {  	_ =	shalt  }
0x4e: {  	_ =	shalt  }
0x4f: {  	_ =	shalt  }
0x50: {  	_ =	shalt  }
0x51: {  	_ =	shalt  }
0x52: {  	_ =	shalt  }
0x53: {  	_ =	shalt  }
0x54: {  	_ =	shalt  }
0x55: {  	_ =	shalt  }
0x56: {  	_ =	shalt  }
0x57: {  	_ =	shalt  }
0x58: {  	_ =	shalt  }
0x59: {  	_ =	shalt  }
0x5a: {  	_ =	shalt  }
0x5b: {  	_ =	shalt  }
0x5c: {  	_ =	shalt  }
0x5d: {  	_ =	shalt  }
0x5e: {  	_ =	shalt  }
0x5f: {  	_ =	shalt  }
0x60: {  	_ =	shalt  }
0x61: {  	_ =	shalt  }
0x62: {  	_ =	shalt  }
0x63: {  	_ =	shalt  }
0x64: {  	_ =	shalt  }
0x65: {  	_ =	shalt  }
0x66: {  	_ =	shalt  }
0x67: {  	_ =	shalt  }
0x68: {  	_ =	shalt  }
0x69: {  	_ =	shalt  }
0x6a: {  	_ =	shalt  }
0x6b: {  	_ =	shalt  }
0x6c: {  	_ =	shalt  }
0x6d: {  	_ =	shalt  }
0x6e: {  	_ =	shalt  }
0x6f: {  	_ =	shalt  }
0x70: {  	_ =	shalt  }
0x71: {  	_ =	shalt  }
0x72: {  	_ =	shalt  }
0x73: {  	_ =	shalt  }
0x74: {  	_ =	shalt  }
0x75: {  	_ =	shalt  }
0x76: {  	_ =	shalt  }
0x77: {  	_ =	shalt  }
0x78: {  	_ =	shalt  }
0x79: {  	_ =	shalt  }
0x7a: {  	_ =	shalt  }
0x7b: {  	_ =	shalt  }
0x7c: {  	_ =	shalt  }
0x7d: {  	_ =	shalt  }
0x7e: {  	_ =	shalt  }
0x7f: {  	_ =	shalt  }
0x80: {  	_ =	shalt  }
0x81: {  	_ =	shalt  }
0x82: {  	_ =	shalt  }
0x83: {  	_ =	shalt  }
0x84: {  	_ =	shalt  }
0x85: {  	_ =	shalt  }
0x86: {  	_ =	shalt  }
0x87: {  	_ =	shalt  }
.Lfunc_end0:
.L_simem_size_0:
called_computation_lowered:
.L_overlay_start_0:
0x88: {  	s2 =	sld [smem:$0x3FD9]  }
0x89: {  	s3 =	sld [smem:$0x3FFE];
	_ =	sdelay $0x1  }
0x8a: {  	s1 =	srdreg.scid  }
0x8b: {  	s0 =	sand.u32 $0x1, s1  }
0x8c: {  	s14 =	sshll.u32 s0, $0xA;
	s2 =	sadd.s32 s3, s2  }
0x8d: {  	s2 =	sadd.s32 s2, s14  }
0x8e: {  	[smem:$0x3FC5] =	sst s2  }
0x8f: {  	_ = 	snop  }
0x90: {  	s2 =	sld [smem:$0x3FD0];
	_ =	sdelay $0x2  }
0x91: {  	s15 =	simm.s32 $0xA;
	s4 =	simm.s32 $0x10  }
0x92: {  	[smem:s4], [sflag:s15] =	dma.local [hbm:s2], $0x1  }
0x93: {  	_ =	swait.eq [sflag:s15], $0x1  }
0x94: {  	[sflag:s15] =	ssyncset.done $0x0  }
0x95: {  	[sflag:s15] =	ssyncadd.s32 $0xFFFFFFFF  }
0x96: {  	s16 =	sld [smem:$0x10];
	(tm) =	ssettm $0x1  }
0x97: {  	s17 =	sld [smem:$0x3FFB];
	_ =	sdelay $0x3  }
0x98: {  	_ =	strace s17  }
0x99: {  	s3 =	sld [smem:$0x3FFC];
	_ =	sdelay $0x3  }
0x9a: {  	_ =	strace s3  }
0x9b: {  	s3 =	sld [smem:$0x3FFD];
	_ =	sdelay $0x3  }
0x9c: {  	_ =	strace s3  }
0x9d: {  	_ =	strace $0x8FFFFFFF  }
0x9e: {  	s18 =	sld [smem:$0x3FDB];
	_ =	sdelay $0x1  }
0x9f: {  	s19 =	simm.s32 $_scs_section_size  }
0xa0: {  	s5 =	simm.s32 $_size__tile_overlayer_lowered;
	s6 =	simm.s32 $_tile_overlayer_lowered  }
0xa1: {  	s22 =	simm.s32 $0x1BFF;
	s21 =	sshll.u32 s6, $0x1;
	s3 =	sadd.s32 s19, s18  }
0xa2: {  	s7 =	simm.s32 $0x0;
	s20 =	sshll.u32 s5, $0x1;
	s5 =	sadd.s32 s21, s3  }
0xa3: {  	[timem:s7], [sflag:s22] =	dma.local [hbm:s5], s20  }
0xa4: {  	_ =	swait.ge [sflag:s22], s20  }
0xa5: {  	s4 =	ssub.s32 $0x0, s20;
	[sflag:s22] =	ssyncset.done $0x0  }
0xa6: {  	[sflag:s22] =	ssyncadd.s32 s4;
	_ =	sdelay $0x1  }
0xa7: {  	s23 =	simm.s32 $0x1B8B  }
0xa8: {  	_ =	swait.ge [sflag:s23], $0x1  }
0xa9: {  	[sflag:s23] =	ssyncset.done $0x0  }
0xaa: {  	s25 =	simm.s32 $0x1B8E;
	s24 =	sld [smem:$0x3FFE];
	[sflag:s23] =	ssyncadd.s32 $0xFFFFFFFF  }
0xab: {  	s26 =	simm.s32 $execute0_lowered;
	[smem:$0x3FD2] =	sst s25  }
0xac: {  	s5 =	sshll.u32 s26, $0x1;
	_ =	strace $0x80000046;
	[dreg:$0x1] =	wrdreg $0xFFFFFFFF  }
0xad: {  	s28 =	simm.s32 $_size_execute0_lowered;
	s3 =	sadd.s32 s3, s5;
	[dreg:$0x0] =	wrdreg $0x0  }
0xae: {  	s5 =	sshll.u32 s28, $0x1;
	[dreg:$0x2] =	wrdreg s3  }
0xaf: {  	[dreg:$0x3] =	wrdreg s5  }
0xb0: {  	[dreg:$0x4] =	wrdreg $0xC0  }
0xb1: {  	_ =	task [dreg:s7], $0x5FFFF  }
0xb2: {  	[dreg:$0x1] =	wrdreg $0xFFFFFFFF  }
0xb3: {  	[dreg:$0x0] =	wrdreg $0x60  }
0xb4: {  	[dreg:$0x2] =	wrdreg s24  }
0xb5: {  	[dreg:$0x3] =	wrdreg s16  }
0xb6: {  	[dreg:$0x4] =	wrdreg $0x9  }
0xb7: {  	_ =	task.clear_ibuf [dreg:s7], $0x5FFFF;
	_ =	strace $0x90000046  }
0xb8: {  	s29 =	simm.s32 $0x9;
	_ =	strace $0x80000048  }
0xb9: {  	_ =	swait.ge [sflag:s29], $0x1  }
0xba: {  	[sflag:s29] =	ssyncadd.s32 $0xFFFFFFFF  }
0xbb: {  	_ =	strace $0x90000048  }
0xbc: {  	_ =	sfence  }
0xbd: {  	s30 =	sld [smem:$0x0];
	_ =	sdelay $0x2  }
0xbe: {  	s31 =	sshll.u32 s1, $0xD;
	s1 =	sshrl.u32 s1, $0x2  }
0xbf: {  	s3 =	sand.u32 $0x4000, s31;
	s1 =	sadd.s32 s1, s30  }
0xc0: {  	s0 =	sor.u32 s3, s0;
	s1 =	sshll.u32 s1, $0x11  }
0xc1: {  	s0 =	sor.u32 s1, s0  }
0xc2: {  	s0 =	sadd.s32 $0x8F2B, s0  }
0xc3: {  	[sflag:s0] =	ssyncadd.remote.s32 $0x1  }
0xc4: {  	_ =	sfence.sel $0xFFFF  }
0xc5: {  	[dreg:$0x0] =	wrdreg $0xFFFFFFFF;
	(pc) =	sbr.abs _section_cstart, $3  }
0xc6: {  	[dreg:$0x1] =	wrdreg $0xFFFFFFFF  }
0xc7: {  	_ =	task.clear_ibuf [dreg:s7], $0x2FFFF;
	_ =	strace $0x9FFFFFFF  }
0xc8: {  	(tm) =	ssettm $0x7FFFFFFF  }
0xc9: {  	_ =	shalt  }
tec
execute0_lowered:
.L_overlay_start_1:
0x0: {  	(tag) =	ssettag $0x1  }
0x1: {  	s7 =	rddreg [dreg:$0x0]  }
0x2: {  	s4 =	rddreg [dreg:$0x1]  }
0x3: {  	s0 =	rddreg [dreg:$0x2];
	s3 =	srdreg.scid  }
0x4: {  	s2 =	simm.s32 $0x0;
	s1 =	stileid.u32;
	s10 =	simm.s32 $0x2  }
0x5: {  	s11 =	simm.s32 $0x80;
	s12 =	simm.s32 $0x880;
	s13 =	simm.s32 $0x1080  }
0x6: {  	s14 =	simm.s32 $0x1880;
	s15 =	simm.s32 $0x2080;
	s16 =	simm.s32 $0x2880  }
0x7: {  	s17 =	simm.s32 $0x3080;
	s18 =	simm.s32 $0x3880;
	s19 =	simm.s32 $0x4080  }
0x8: {  	s20 =	simm.s32 $0x4880;
	s21 =	simm.s32 $0x5080;
	s22 =	simm.s32 $0x5880  }
0x9: {  	s23 =	simm.s32 $0x6080;
	s24 =	simm.s32 $0x6880;
	s25 =	simm.s32 $0x7080  }
0xa: {  	s26 =	simm.s32 $0x7880;
	s28 =	simm.s32 $0x1;
	s3 =	sand.u32 $0x1, s3  }
0xb: {  	[smem:$0x7FF] =	sst s2;
	s5 =	sshll.u32 s1, $0x6;
	s6 =	sshll.u32 s3, $0x5  }
0xc: {  	_ =	strace $0x80000047;
	s31 =	ssub.s32 $0x2, s3;
	s3 =	sadd.s32 $0x101200, s7  }
0xd: {  	s5 =	sor.u32 s6, s5;
	s9 =	sshrl.u32 s31, $0x1;
	s6 =	sadd.s32 $0x101400, s7  }
0xe: {  	v2 =	vlaneseq.u32;
	s8 =	sshll.u32 s5, $0x7;
	s9 =	ssub.s32 s31, s9;
	s5 =	sshrl.u32 s5, $0x3  }
0xf: {  	vm0 =	vmmov $0xffff;
	v1 =	vshrl.u32 v2, $0x3;
	s8 =	sadd.s32 s8, s7;
	s4 =	sadd.s32 s4, s5;
	s5 =	sadd.s32 $0x101300, s7  }
0x10: {  	v0 =	vand.u32 $0x7, v2;
	v2 =	vor.u32 $0x8, v2;
	v1 =	vmul.u32 $0x8, v1;
	s7 =	sadd.s32 $0x101500, s7;
	s9 =	smax.u32 s9, $0x1;
	s8 =	sadd.s32 $0x1200, s8  }
.LBB2_1:
0x11: {  	[tilespmem:s2], [sflag:$0x2] =	stream.linear.gather [hbm4b:s4+s2], $0x20, $0x38;
	[tilespmem:$0x8080] =	vst v63  }
0x12: {  	_ =	swait.ge [sflag:s10], $0x20  }
0x13: {  	[sflag:s10] =	ssyncset.done $0x0  }
0x14: {  	[sflag:s10] =	ssyncadd.s32 $0xFFFFFFE0  }
0x15: {  	v3 =	vld [tilespmem:$0x0];
	_ =	sdelay $0x4  }
0x16: {  	v4 =	vshll.u32 v3, $0x3  }
0x17: {  	v3 =	vand.u32 $0x7, v3;
	v4 =	vand.u32 $0xFFFFFFC0, v4  }
0x18: {  	v3 =	vor.u32 v3, v4  }
0x19: {  	v4 =	vperm.xlane v3, v0;
	_ =	sdelay $0x1  }
0x1a: {  	v4 =	vadd.s32 v1, v4;
	_ =	sdelay $0x4  }
0x1b: {  	[tilespmem:s11], [sflag:$0x1] =	stream.indirect_vreg.gather [hbm4b:s3+s2], $0x80, v4, vm0, $0xb8;
	[tilespmem:$0x8080] =	vst v63  }
0x1c: {  	v3 =	vperm.xlane v3, v2  }
0x1d: {  	[tilespmem:s12], [sflag:$0x1] =	stream.indirect_vreg.gather [hbm4b:s5+s2], $0x80, v4, vm0, $0xb8;
	[tilespmem:$0x8080] =	vst v63  }
0x1e: {  	v3 =	vadd.s32 v1, v3  }
0x1f: {  	[tilespmem:s13], [sflag:$0x1] =	stream.indirect_vreg.gather [hbm4b:s6+s2], $0x80, v4, vm0, $0xb8;
	[tilespmem:$0x8080] =	vst v63  }
0x20: {  	_ = 	snop  }
0x21: {  	[tilespmem:s14], [sflag:$0x1] =	stream.indirect_vreg.gather [hbm4b:s7+s2], $0x80, v4, vm0, $0xb8;
	[tilespmem:$0x8080] =	vst v63  }
0x22: {  	_ = 	snop  }
0x23: {  	[tilespmem:s15], [sflag:$0x1] =	stream.indirect_vreg.gather [hbm4b:s3+s2], $0x80, v3, vm0, $0xb8;
	[tilespmem:$0x8080] =	vst v63  }
0x24: {  	_ = 	snop  }
0x25: {  	[tilespmem:s16], [sflag:$0x1] =	stream.indirect_vreg.gather [hbm4b:s5+s2], $0x80, v3, vm0, $0xb8;
	[tilespmem:$0x8080] =	vst v63  }
0x26: {  	_ = 	snop  }
0x27: {  	[tilespmem:s17], [sflag:$0x1] =	stream.indirect_vreg.gather [hbm4b:s6+s2], $0x80, v3, vm0, $0xb8;
	[tilespmem:$0x8080] =	vst v63  }
0x28: {  	_ = 	snop  }
0x29: {  	[tilespmem:s18], [sflag:$0x1] =	stream.indirect_vreg.gather [hbm4b:s7+s2], $0x80, v3, vm0, $0xb8;
	[tilespmem:$0x8080] =	vst v63  }
0x2a: {  	v3 =	vld [tilespmem:$0x10];
	_ =	sdelay $0x4  }
0x2b: {  	v63 =	vshll.u32 v3, $0x3  }
0x2c: {  	v3 =	vand.u32 $0x7, v3;
	v4 =	vand.u32 $0xFFFFFFC0, v63  }
0x2d: {  	v3 =	vor.u32 v3, v4  }
0x2e: {  	v4 =	vperm.xlane v3, v0;
	_ =	sdelay $0x1  }
0x2f: {  	v4 =	vadd.s32 v1, v4;
	_ =	sdelay $0x4  }
0x30: {  	[tilespmem:s19], [sflag:$0x1] =	stream.indirect_vreg.gather [hbm4b:s3+s2], $0x80, v4, vm0, $0xb8;
	[tilespmem:$0x8080] =	vst v63  }
0x31: {  	v3 =	vperm.xlane v3, v2  }
0x32: {  	[tilespmem:s20], [sflag:$0x1] =	stream.indirect_vreg.gather [hbm4b:s5+s2], $0x80, v4, vm0, $0xb8;
	[tilespmem:$0x8080] =	vst v63  }
0x33: {  	v3 =	vadd.s32 v1, v3  }
0x34: {  	[tilespmem:s21], [sflag:$0x1] =	stream.indirect_vreg.gather [hbm4b:s6+s2], $0x80, v4, vm0, $0xb8;
	[tilespmem:$0x8080] =	vst v63  }
0x35: {  	_ = 	snop  }
0x36: {  	[tilespmem:s22], [sflag:$0x1] =	stream.indirect_vreg.gather [hbm4b:s7+s2], $0x80, v4, vm0, $0xb8;
	[tilespmem:$0x8080] =	vst v63  }
0x37: {  	_ = 	snop  }
0x38: {  	[tilespmem:s23], [sflag:$0x1] =	stream.indirect_vreg.gather [hbm4b:s3+s2], $0x80, v3, vm0, $0xb8;
	[tilespmem:$0x8080] =	vst v63  }
0x39: {  	_ = 	snop  }
0x3a: {  	[tilespmem:s24], [sflag:$0x1] =	stream.indirect_vreg.gather [hbm4b:s5+s2], $0x80, v3, vm0, $0xb8;
	[tilespmem:$0x8080] =	vst v63  }
0x3b: {  	_ = 	snop  }
0x3c: {  	[tilespmem:s25], [sflag:$0x1] =	stream.indirect_vreg.gather [hbm4b:s6+s2], $0x80, v3, vm0, $0xb8;
	[tilespmem:$0x8080] =	vst v63  }
0x3d: {  	_ = 	snop  }
0x3e: {  	[tilespmem:s26], [sflag:$0x1] =	stream.indirect_vreg.gather [hbm4b:s7+s2], $0x80, v3, vm0, $0xb8;
	[tilespmem:$0x8080] =	vst v63  }
0x3f: {  	_ =	swait.ge [sflag:s28], $0x8000  }
0x40: {  	p0 =	sne.s32 s9, $0x1;
	[sflag:s28] =	ssyncset.done $0x0  }
.Ltmp0:
0x41: {  	[sflag:s28] =	ssyncadd.s32 $0xFFFF8000;
	(pc) =	sbr.rel @p0 .LBB2_1-.Ltmp0, $4  }
0x42: {  	[hbm4b:s8+s2] =	stream.linear.scatter [tilespmem:s11], [sflag:$0x2], $0x8000, $0x38;
	[tilespmem:$0x8080] =	vst v63  }
0x43: {  	_ =	swait.ge [sflag:s10], $0x8000  }
0x44: {  	[sflag:s10] =	ssyncset.done $0x0  }
0x45: {  	s9 =	sadd.s32 $0xFFFFFFFF, s9;
	[sflag:s10] =	ssyncadd.s32 $0xFFFF8000  }
0x46: {  	_ =	sfence.sel $0x180000  }
0x47: {  	[bflag:$0x0] =	sbarrier.arrive $0xFFFF  }
0x48: {  	p0 =	sne.s32 s1, $0x0;
	_ =	strace $0x90000047  }
0x49: {  	s0 =	sadd.s32 @!p0 $0x100000, s0;
	[bflag:$0x2] =	sbarrier.arrive $0xFFFF  }
0x4a: {  	[sflag:s0] =	ssyncadd.tile.s32 @!p0 $0x1;
	_ =	shalt  }
.Lfunc_end2:
_tile_overlayer_lowered:
.L_overlay_start_2:
0x4b: {  	(tag) =	ssettag $0x2  }
0x4c: {  	s0 =	rddreg [dreg:$0x0];
	s2 =	stileid.u32  }
0x4d: {  	s1 =	rddreg [dreg:$0x1];
	p0 =	sne.s32 s2, $0x0  }
0x4e: {  	s3 =	rddreg [dreg:$0x2];
	[bflag:$0x3] =	sbarrier.arrive $0xFFFF;
	s2 =	simm.s32 @!p0 $0x1C02  }
0x4f: {  	[timem:s3], [sflag:s2] =	dma.local @!p0 [hbm:s0], s1  }
0x50: {  	s0 =	simm.s32 @!p0 $0x2  }
0x51: {  	_ =	swait.ge @!p0 [sflag:s0], s1  }
0x52: {  	s1 =	ssub.s32 @!p0 $0x0, s1;
	[sflag:s0] =	ssyncset.done @!p0 $0x0  }
0x53: {  	[sflag:s0] =	ssyncadd.s32 @!p0 s1  }
0x54: {  	[bflag:$0x3] =	sbarrier.arrive $0xFFFF  }
0x55: {  	_ =	shalt  }

</sc_bundles>
